<compile_context>
chip_gen: v7x
topology: tpu7x:2x2x1
jax: 0.10.2.dev20260603
libtpu: 0.0.44.dev20260713+nightly
codegen_flags: <defaults>
</compile_context>

<pallas_src>
import functools
import math

import jax
import jax.numpy as jnp
from jax import lax
from jax.experimental import pallas as pl
from jax.experimental.pallas import tpu as pltpu
from jax.experimental.pallas import tpu_sc as plsc

D = 64
SCALE = math.sqrt(D)
NC, NS = 2, 16
NW = NC * NS
IB = 128
K = 1


@functools.lru_cache(maxsize=None)
def _emb_kernel(B):
    rows_per_w = B // (NW * IB)
    ngroups = rows_per_w // K
    assert ngroups % 2 == 0
    npairs = ngroups // 2
    mesh = plsc.VectorSubcoreMesh(
        core_axis_name="c", subcore_axis_name="s",
        num_cores=NC, num_subcores=NS)

    @functools.partial(
        pl.kernel,
        out_type=jax.ShapeDtypeStruct((B, D), jnp.float32),
        mesh=mesh,
        scratch_types=[
            pltpu.VMEM((rows_per_w, IB), jnp.int32),
            pltpu.VMEM((K * IB, 2 * D), jnp.float32),
            pltpu.VMEM((K * IB, 2 * D), jnp.float32),
            pltpu.VMEM((K * IB, D), jnp.float32),
            pltpu.VMEM((K * IB, D), jnp.float32),
            pltpu.SemaphoreType.DMA,
            pltpu.SemaphoreType.DMA,
            pltpu.SemaphoreType.DMA,
            pltpu.SemaphoreType.DMA,
        ],
        compiler_params=pltpu.CompilerParams(use_tc_tiling_on_sc=True),
    )
    def body(x_hbm, lut_hbm, out_hbm, idx_v, rows_a, rows_b, cmp_a, cmp_b,
             gsem_a, gsem_b, ssem_a, ssem_b):
        wid = lax.axis_index("s") * NC + lax.axis_index("c")
        base_row = wid * rows_per_w
        out_base = base_row * IB
        pltpu.sync_copy(x_hbm.at[pl.ds(base_row, rows_per_w)], idx_v)

        def start_gather(g, rows_v, gsem):
            pltpu.async_copy(lut_hbm.at[idx_v.at[g]], rows_v, gsem)

        def drain_gather(rows_v, gsem):
            pltpu.make_async_copy(lut_hbm.at[idx_v.at[0]], rows_v,
                                  gsem).wait()

        def scale(rows_v, cmp_v):
            def row(r, c):
                for k in range(D // 16):
                    sl = pl.ds(k * 16, 16)
                    cmp_v[r, sl] = rows_v[r, sl]
                return c
            lax.fori_loop(0, IB, row, 0)

        def start_scatter(g, cmp_v, ssem):
            pltpu.async_copy(
                cmp_v, out_hbm.at[pl.ds(out_base + g * IB, IB)], ssem)

        def drain_scatter(g, cmp_v, ssem):
            pltpu.make_async_copy(
                cmp_v, out_hbm.at[pl.ds(out_base + g * IB, IB)], ssem).wait()

        start_gather(0, rows_a, gsem_a)
        start_gather(1, rows_b, gsem_b)

        def pair(i2, c):
            ga = 2 * i2
            drain_gather(rows_a, gsem_a)
            scale(rows_a, cmp_a)
            start_scatter(ga, cmp_a, ssem_a)
            start_gather(ga + 2, rows_a, gsem_a)
            drain_gather(rows_b, gsem_b)
            scale(rows_b, cmp_b)
            start_scatter(ga + 1, cmp_b, ssem_b)
            start_gather(ga + 3, rows_b, gsem_b)
            drain_scatter(ga, cmp_a, ssem_a)
            drain_scatter(ga + 1, cmp_b, ssem_b)
            return c

        lax.fori_loop(0, npairs - 1, pair, 0)

        gl = ngroups - 2
        drain_gather(rows_a, gsem_a)
        scale(rows_a, cmp_a)
        start_scatter(gl, cmp_a, ssem_a)
        drain_gather(rows_b, gsem_b)
        scale(rows_b, cmp_b)
        start_scatter(gl + 1, cmp_b, ssem_b)
        drain_scatter(gl, cmp_a, ssem_a)
        drain_scatter(gl + 1, cmp_b, ssem_b)

    return body


TB = 16384


def _widen_body(x_ref, o_ref):
    t = jnp.swapaxes(x_ref[...], 0, 1) * SCALE
    o_ref[...] = jnp.concatenate([t, t], axis=1)


@functools.lru_cache(maxsize=None)
def _lut_widen(v):
    grid = (v + TB - 1) // TB
    return pl.pallas_call(
        _widen_body,
        grid=(grid,),
        in_specs=[pl.BlockSpec((D, TB), lambda i: (0, i))],
        out_specs=pl.BlockSpec((TB, 2 * D), lambda i: (i, 0)),
        out_shape=jax.ShapeDtypeStruct((v, 2 * D), jnp.float32),
    )


@jax.jit
def kernel(x, lut):
    s0, s1 = x.shape
    B = s0 * s1
    x2 = x.reshape(B // IB, IB).astype(jnp.int32)
    lut_w = _lut_widen(lut.shape[0])(jnp.swapaxes(lut, 0, 1))
    out = _emb_kernel(B)(x2, lut_w)
    return out.reshape(s0, s1, D)

# --- scband reference (transcript-rebuilt; emitter-appended) ---
"""Pipeline reference for scband-embeddings-84086869721709 (READ-ONLY COPY).

The authoritative reference and input builder live on the scoring server;
editing this copy changes nothing except your own understanding.
"""

import math
import jax, jax.numpy as jnp
import numpy as np

D_MODEL = 64
VOCAB = 1000000

def setup_inputs(seed: int = 0) -> dict:
    key = jax.random.key(seed)
    k1, k2 = jax.random.split(key)
    x = jax.random.randint(k1, (4096, 200), 0, VOCAB, dtype=jnp.int64) if jax.config.jax_enable_x64 else jax.random.randint(k1, (4096, 200), 0, VOCAB, dtype=jnp.int32)
    # embedding table, default nn.Embedding init ~ N(0,1)
    lut = jax.random.normal(k2, (VOCAB, D_MODEL), dtype=jnp.float32)
    return {"x": x, "lut": lut}

def reference(x, lut):
    # Faithful translation: embedding lookup scaled by sqrt(d_model)
    emb = jnp.take(lut, x, axis=0)
    return emb * math.sqrt(D_MODEL)

if __name__ == "__main__":
    import jax
    _d = setup_inputs()
    print(jax.jit(kernel)(*tuple(_d.values())))

</pallas_src>

<mosaic_0001>
#map = affine_map<(d0, d1) -> (0, 0)>
module attributes {stable_mosaic.version = 14 : i64} {
  func.func @body(%arg0: i32, %arg1: i32, %arg2: memref<6400x128xi32, #tpu.memory_space<hbm>>, %arg3: memref<1000000x128xf32, #tpu.memory_space<hbm>>, %arg4: memref<819200x64xf32, #tpu.memory_space<hbm>>, %arg5: memref<200x128xi32, #tpu.memory_space<vmem>>, %arg6: memref<128x128xf32, #tpu.memory_space<vmem>>, %arg7: memref<128x128xf32, #tpu.memory_space<vmem>>, %arg8: memref<128x64xf32, #tpu.memory_space<vmem>>, %arg9: memref<128x64xf32, #tpu.memory_space<vmem>>, %arg10: memref<!tpu.dma_semaphore, #tpu.memory_space<semaphore_mem>>, %arg11: memref<!tpu.dma_semaphore, #tpu.memory_space<semaphore_mem>>, %arg12: memref<!tpu.dma_semaphore, #tpu.memory_space<semaphore_mem>>, %arg13: memref<!tpu.dma_semaphore, #tpu.memory_space<semaphore_mem>>) attributes {dimension_semantics = [#tpu.dimension_semantics<core_parallel>, #tpu.dimension_semantics<subcore_parallel>], iteration_bounds = array<i64: 2, 16>, scalar_prefetch = 0 : i64, scratch_operands = 9 : i64, tpu.core_type = #tpu.core_type<sc_vector_subcore>, window_params = [{transform_indices = #map}, {transform_indices = #map}, {transform_indices = #map}]} {
    %mul3A = arith.constant 2 : i32
    %mul3A_0 = arith.muli %arg1, %mul3A : i32
    %add3A = arith.addi %mul3A_0, %arg0 : i32
    %mul3A_1 = arith.constant 200 : i32
    %mul3A_2 = arith.muli %add3A, %mul3A_1 : i32
    %mul3A_3 = arith.constant 128 : i32
    %mul3A_4 = arith.muli %mul3A_2, %mul3A_3 : i32
    "tpu.region"() ({
      %run_scoped3A = tpu.sem_alloc : memref<!tpu.dma_semaphore, #tpu.memory_space<semaphore_mem>>
      %dma_start3A_72 = arith.constant 0 : i32
      %dma_start3A_73 = tpu.memref_slice %arg2[%mul3A_2, %dma_start3A_72] : memref<6400x128xi32, #tpu.memory_space<hbm>> -> memref<200x128xi32, #tpu.memory_space<hbm>>
      %dma_start3A_74 = arith.constant 0 : i32
      %dma_start3A_75 = tpu.memref_slice %arg2[%mul3A_2, %dma_start3A_74] : memref<6400x128xi32, #tpu.memory_space<hbm>> -> memref<200x128xi32, #tpu.memory_space<hbm>>
      tpu.enqueue_dma source(%dma_start3A_75 : memref<200x128xi32, #tpu.memory_space<hbm>>) target(%arg5 : memref<200x128xi32, #tpu.memory_space<vmem>>) target_semaphore(%run_scoped3A : memref<!tpu.dma_semaphore, #tpu.memory_space<semaphore_mem>>)
      %dma_wait3A_76 = arith.constant 0 : i32
      %dma_wait3A_77 = tpu.memref_slice %arg2[%mul3A_2, %dma_wait3A_76] : memref<6400x128xi32, #tpu.memory_space<hbm>> -> memref<200x128xi32, #tpu.memory_space<hbm>>
      %dma_wait3A_78 = arith.constant 0 : i32
      %dma_wait3A_79 = tpu.memref_slice %arg2[%mul3A_2, %dma_wait3A_78] : memref<6400x128xi32, #tpu.memory_space<hbm>> -> memref<200x128xi32, #tpu.memory_space<hbm>>
      tpu.wait_dma2 semaphore(%run_scoped3A : memref<!tpu.dma_semaphore, #tpu.memory_space<semaphore_mem>>) src(%dma_wait3A_79 : memref<200x128xi32, #tpu.memory_space<hbm>>) dst(%arg5 : memref<200x128xi32, #tpu.memory_space<vmem>>)
      tpu.yield
    }) : () -> ()
    %dma_start3A = arith.constant 0 : i32
    %dma_start3A_5 = arith.constant 0 : i32
    %dma_start3A_6 = tpu.memref_slice %arg5[%dma_start3A, %dma_start3A_5] : memref<200x128xi32, #tpu.memory_space<vmem>> -> memref<1x128xi32, #tpu.memory_space<vmem>>
    %dma_start3A_7 = tpu.memref_squeeze %dma_start3A_6 : memref<1x128xi32, #tpu.memory_space<vmem>> -> memref<128xi32, #tpu.memory_space<vmem>>
    %dma_start3A_8 = arith.constant 0 : i32
    %dma_start3A_9 = arith.constant 0 : i32
    %dma_start3A_10 = tpu.memref_slice %arg3[%dma_start3A_8, %dma_start3A_9] : memref<1000000x128xf32, #tpu.memory_space<hbm>> -> memref<1000000x128xf32, #tpu.memory_space<hbm>>
    tpu.enqueue_indirect_dma source(%dma_start3A_10 : memref<1000000x128xf32, #tpu.memory_space<hbm>>) target(%arg6 : memref<128x128xf32, #tpu.memory_space<vmem>>) offsets(%dma_start3A_7 : memref<128xi32, #tpu.memory_space<vmem>>) semaphore(%arg10 : memref<!tpu.dma_semaphore, #tpu.memory_space<semaphore_mem>>)
    %dma_start3A_11 = arith.constant 1 : i32
    %dma_start3A_12 = arith.constant 0 : i32
    %dma_start3A_13 = tpu.memref_slice %arg5[%dma_start3A_11, %dma_start3A_12] : memref<200x128xi32, #tpu.memory_space<vmem>> -> memref<1x128xi32, #tpu.memory_space<vmem>>
    %dma_start3A_14 = tpu.memref_squeeze %dma_start3A_13 : memref<1x128xi32, #tpu.memory_space<vmem>> -> memref<128xi32, #tpu.memory_space<vmem>>
    %dma_start3A_15 = arith.constant 0 : i32
    %dma_start3A_16 = arith.constant 0 : i32
    %dma_start3A_17 = tpu.memref_slice %arg3[%dma_start3A_15, %dma_start3A_16] : memref<1000000x128xf32, #tpu.memory_space<hbm>> -> memref<1000000x128xf32, #tpu.memory_space<hbm>>
    tpu.enqueue_indirect_dma source(%dma_start3A_17 : memref<1000000x128xf32, #tpu.memory_space<hbm>>) target(%arg7 : memref<128x128xf32, #tpu.memory_space<vmem>>) offsets(%dma_start3A_14 : memref<128xi32, #tpu.memory_space<vmem>>) semaphore(%arg11 : memref<!tpu.dma_semaphore, #tpu.memory_space<semaphore_mem>>)
    %scan3A = arith.constant 0 : i32
    %scan3A_18 = arith.constant 0 : i32
    %scan3A_19 = arith.constant 99 : i32
    %scan3A_20 = arith.addi %scan3A_18, %scan3A_19 : i32
    %scan3A_21 = arith.constant 1 : i32
    scf.for %scan3A_72 = %scan3A_18 to %scan3A_20 step %scan3A_21  : i32 {
      %mul3A_73 = arith.constant 2 : i32
      %mul3A_74 = arith.muli %mul3A_73, %scan3A_72 : i32
      %dma_wait3A_75 = arith.constant 0 : i32
      %dma_wait3A_76 = arith.constant 0 : i32
      %dma_wait3A_77 = tpu.memref_slice %arg5[%dma_wait3A_75, %dma_wait3A_76] : memref<200x128xi32, #tpu.memory_space<vmem>> -> memref<1x128xi32, #tpu.memory_space<vmem>>
      %dma_wait3A_78 = tpu.memref_squeeze %dma_wait3A_77 : memref<1x128xi32, #tpu.memory_space<vmem>> -> memref<128xi32, #tpu.memory_space<vmem>>
      %dma_wait3A_79 = arith.constant 0 : i32
      %dma_wait3A_80 = arith.constant 0 : i32
      %dma_wait3A_81 = tpu.memref_slice %arg3[%dma_wait3A_79, %dma_wait3A_80] : memref<1000000x128xf32, #tpu.memory_space<hbm>> -> memref<1000000x128xf32, #tpu.memory_space<hbm>>
      tpu.wait_indirect_dma semaphore(%arg10 : memref<!tpu.dma_semaphore, #tpu.memory_space<semaphore_mem>>) src(%dma_wait3A_81 : memref<1000000x128xf32, #tpu.memory_space<hbm>>) dst(%arg6 : memref<128x128xf32, #tpu.memory_space<vmem>>)
      %scan3A_82 = arith.constant 0 : i32
      %scan3A_83 = arith.constant 0 : i32
      %scan3A_84 = arith.constant 128 : i32
      %scan3A_85 = arith.addi %scan3A_83, %scan3A_84 : i32
      %scan3A_86 = arith.constant 1 : i32
      scf.for %scan3A_149 = %scan3A_83 to %scan3A_85 step %scan3A_86  : i32 {
        %get3A = arith.index_cast %scan3A_149 : i32 to index
        %get3A_150 = arith.constant 0 : index
        %get3A_151 = tpu.vector_load %arg6[%get3A, %get3A_150] {strides = array<i32>} : memref<128x128xf32, #tpu.memory_space<vmem>>, vector<1x16xf32>,
        %get3A_152 = vector.shape_cast %get3A_151 : vector<1x16xf32> to vector<16xf32>
        %swap3A = arith.index_cast %scan3A_149 : i32 to index
        %swap3A_153 = arith.constant 0 : index
        %swap3A_154 = tpu.vector_load %arg8[%swap3A, %swap3A_153] {strides = array<i32>} : memref<128x64xf32, #tpu.memory_space<vmem>>, vector<1x16xf32>,
        %swap3A_155 = vector.shape_cast %swap3A_154 : vector<1x16xf32> to vector<16xf32>
        %swap3A_156 = vector.shape_cast %get3A_152 : vector<16xf32> to vector<1x16xf32>
        tpu.vector_store %arg8[%swap3A, %swap3A_153], %swap3A_156 {strides = array<i32>} : memref<128x64xf32, #tpu.memory_space<vmem>>, vector<1x16xf32>,
        %get3A_157 = arith.index_cast %scan3A_149 : i32 to index
        %get3A_158 = arith.constant 16 : index
        %get3A_159 = tpu.vector_load %arg6[%get3A_157, %get3A_158] {strides = array<i32>} : memref<128x128xf32, #tpu.memory_space<vmem>>, vector<1x16xf32>,
        %get3A_160 = vector.shape_cast %get3A_159 : vector<1x16xf32> to vector<16xf32>
        %swap3A_161 = arith.index_cast %scan3A_149 : i32 to index
        %swap3A_162 = arith.constant 16 : index
        %swap3A_163 = tpu.vector_load %arg8[%swap3A_161, %swap3A_162] {strides = array<i32>} : memref<128x64xf32, #tpu.memory_space<vmem>>, vector<1x16xf32>,
        %swap3A_164 = vector.shape_cast %swap3A_163 : vector<1x16xf32> to vector<16xf32>
        %swap3A_165 = vector.shape_cast %get3A_160 : vector<16xf32> to vector<1x16xf32>
        tpu.vector_store %arg8[%swap3A_161, %swap3A_162], %swap3A_165 {strides = array<i32>} : memref<128x64xf32, #tpu.memory_space<vmem>>, vector<1x16xf32>,
        %get3A_166 = arith.index_cast %scan3A_149 : i32 to index
        %get3A_167 = arith.constant 32 : index
        %get3A_168 = tpu.vector_load %arg6[%get3A_166, %get3A_167] {strides = array<i32>} : memref<128x128xf32, #tpu.memory_space<vmem>>, vector<1x16xf32>,
        %get3A_169 = vector.shape_cast %get3A_168 : vector<1x16xf32> to vector<16xf32>
        %swap3A_170 = arith.index_cast %scan3A_149 : i32 to index
        %swap3A_171 = arith.constant 32 : index
        %swap3A_172 = tpu.vector_load %arg8[%swap3A_170, %swap3A_171] {strides = array<i32>} : memref<128x64xf32, #tpu.memory_space<vmem>>, vector<1x16xf32>,
        %swap3A_173 = vector.shape_cast %swap3A_172 : vector<1x16xf32> to vector<16xf32>
        %swap3A_174 = vector.shape_cast %get3A_169 : vector<16xf32> to vector<1x16xf32>
        tpu.vector_store %arg8[%swap3A_170, %swap3A_171], %swap3A_174 {strides = array<i32>} : memref<128x64xf32, #tpu.memory_space<vmem>>, vector<1x16xf32>,
        %get3A_175 = arith.index_cast %scan3A_149 : i32 to index
        %get3A_176 = arith.constant 48 : index
        %get3A_177 = tpu.vector_load %arg6[%get3A_175, %get3A_176] {strides = array<i32>} : memref<128x128xf32, #tpu.memory_space<vmem>>, vector<1x16xf32>,
        %get3A_178 = vector.shape_cast %get3A_177 : vector<1x16xf32> to vector<16xf32>
        %swap3A_179 = arith.index_cast %scan3A_149 : i32 to index
        %swap3A_180 = arith.constant 48 : index
        %swap3A_181 = tpu.vector_load %arg8[%swap3A_179, %swap3A_180] {strides = array<i32>} : memref<128x64xf32, #tpu.memory_space<vmem>>, vector<1x16xf32>,
        %swap3A_182 = vector.shape_cast %swap3A_181 : vector<1x16xf32> to vector<16xf32>
        %swap3A_183 = vector.shape_cast %get3A_178 : vector<16xf32> to vector<1x16xf32>
        tpu.vector_store %arg8[%swap3A_179, %swap3A_180], %swap3A_183 {strides = array<i32>} : memref<128x64xf32, #tpu.memory_space<vmem>>, vector<1x16xf32>,
      }
      %scan3A_87 = arith.constant 128 : i32
      %mul3A_88 = arith.constant 128 : i32
      %mul3A_89 = arith.muli %mul3A_74, %mul3A_88 : i32
      %add3A_90 = arith.addi %mul3A_4, %mul3A_89 : i32
      %dma_start3A_91 = arith.constant 0 : i32
      %dma_start3A_92 = tpu.memref_slice %arg4[%add3A_90, %dma_start3A_91] : memref<819200x64xf32, #tpu.memory_space<hbm>> -> memref<128x64xf32, #tpu.memory_space<hbm>>
      %dma_start3A_93 = arith.constant 0 : i32
      %dma_start3A_94 = tpu.memref_slice %arg4[%add3A_90, %dma_start3A_93] : memref<819200x64xf32, #tpu.memory_space<hbm>> -> memref<128x64xf32, #tpu.memory_space<hbm>>
      tpu.enqueue_dma source(%arg8 : memref<128x64xf32, #tpu.memory_space<vmem>>) target(%dma_start3A_94 : memref<128x64xf32, #tpu.memory_space<hbm>>) target_semaphore(%arg12 : memref<!tpu.dma_semaphore, #tpu.memory_space<semaphore_mem>>)
      %add3A_95 = arith.constant 2 : i32
      %add3A_96 = arith.addi %mul3A_74, %add3A_95 : i32
      %dma_start3A_97 = arith.constant 0 : i32
      %dma_start3A_98 = tpu.memref_slice %arg5[%add3A_96, %dma_start3A_97] : memref<200x128xi32, #tpu.memory_space<vmem>> -> memref<1x128xi32, #tpu.memory_space<vmem>>
      %dma_start3A_99 = tpu.memref_squeeze %dma_start3A_98 : memref<1x128xi32, #tpu.memory_space<vmem>> -> memref<128xi32, #tpu.memory_space<vmem>>
      %dma_start3A_100 = arith.constant 0 : i32
      %dma_start3A_101 = arith.constant 0 : i32
      %dma_start3A_102 = tpu.memref_slice %arg3[%dma_start3A_100, %dma_start3A_101] : memref<1000000x128xf32, #tpu.memory_space<hbm>> -> memref<1000000x128xf32, #tpu.memory_space<hbm>>
      tpu.enqueue_indirect_dma source(%dma_start3A_102 : memref<1000000x128xf32, #tpu.memory_space<hbm>>) target(%arg6 : memref<128x128xf32, #tpu.memory_space<vmem>>) offsets(%dma_start3A_99 : memref<128xi32, #tpu.memory_space<vmem>>) semaphore(%arg10 : memref<!tpu.dma_semaphore, #tpu.memory_space<semaphore_mem>>)
      %dma_wait3A_103 = arith.constant 0 : i32
      %dma_wait3A_104 = arith.constant 0 : i32
      %dma_wait3A_105 = tpu.memref_slice %arg5[%dma_wait3A_103, %dma_wait3A_104] : memref<200x128xi32, #tpu.memory_space<vmem>> -> memref<1x128xi32, #tpu.memory_space<vmem>>
      %dma_wait3A_106 = tpu.memref_squeeze %dma_wait3A_105 : memref<1x128xi32, #tpu.memory_space<vmem>> -> memref<128xi32, #tpu.memory_space<vmem>>
      %dma_wait3A_107 = arith.constant 0 : i32
      %dma_wait3A_108 = arith.constant 0 : i32
      %dma_wait3A_109 = tpu.memref_slice %arg3[%dma_wait3A_107, %dma_wait3A_108] : memref<1000000x128xf32, #tpu.memory_space<hbm>> -> memref<1000000x128xf32, #tpu.memory_space<hbm>>
      tpu.wait_indirect_dma semaphore(%arg11 : memref<!tpu.dma_semaphore, #tpu.memory_space<semaphore_mem>>) src(%dma_wait3A_109 : memref<1000000x128xf32, #tpu.memory_space<hbm>>) dst(%arg7 : memref<128x128xf32, #tpu.memory_space<vmem>>)
      %scan3A_110 = arith.constant 0 : i32
      %scan3A_111 = arith.constant 0 : i32
      %scan3A_112 = arith.constant 128 : i32
      %scan3A_113 = arith.addi %scan3A_111, %scan3A_112 : i32
      %scan3A_114 = arith.constant 1 : i32
      scf.for %scan3A_149 = %scan3A_111 to %scan3A_113 step %scan3A_114  : i32 {
        %get3A = arith.index_cast %scan3A_149 : i32 to index
        %get3A_150 = arith.constant 0 : index
        %get3A_151 = tpu.vector_load %arg7[%get3A, %get3A_150] {strides = array<i32>} : memref<128x128xf32, #tpu.memory_space<vmem>>, vector<1x16xf32>,
        %get3A_152 = vector.shape_cast %get3A_151 : vector<1x16xf32> to vector<16xf32>
        %swap3A = arith.index_cast %scan3A_149 : i32 to index
        %swap3A_153 = arith.constant 0 : index
        %swap3A_154 = tpu.vector_load %arg9[%swap3A, %swap3A_153] {strides = array<i32>} : memref<128x64xf32, #tpu.memory_space<vmem>>, vector<1x16xf32>,
        %swap3A_155 = vector.shape_cast %swap3A_154 : vector<1x16xf32> to vector<16xf32>
        %swap3A_156 = vector.shape_cast %get3A_152 : vector<16xf32> to vector<1x16xf32>
        tpu.vector_store %arg9[%swap3A, %swap3A_153], %swap3A_156 {strides = array<i32>} : memref<128x64xf32, #tpu.memory_space<vmem>>, vector<1x16xf32>,
        %get3A_157 = arith.index_cast %scan3A_149 : i32 to index
        %get3A_158 = arith.constant 16 : index
        %get3A_159 = tpu.vector_load %arg7[%get3A_157, %get3A_158] {strides = array<i32>} : memref<128x128xf32, #tpu.memory_space<vmem>>, vector<1x16xf32>,
        %get3A_160 = vector.shape_cast %get3A_159 : vector<1x16xf32> to vector<16xf32>
        %swap3A_161 = arith.index_cast %scan3A_149 : i32 to index
        %swap3A_162 = arith.constant 16 : index
        %swap3A_163 = tpu.vector_load %arg9[%swap3A_161, %swap3A_162] {strides = array<i32>} : memref<128x64xf32, #tpu.memory_space<vmem>>, vector<1x16xf32>,
        %swap3A_164 = vector.shape_cast %swap3A_163 : vector<1x16xf32> to vector<16xf32>
        %swap3A_165 = vector.shape_cast %get3A_160 : vector<16xf32> to vector<1x16xf32>
        tpu.vector_store %arg9[%swap3A_161, %swap3A_162], %swap3A_165 {strides = array<i32>} : memref<128x64xf32, #tpu.memory_space<vmem>>, vector<1x16xf32>,
        %get3A_166 = arith.index_cast %scan3A_149 : i32 to index
        %get3A_167 = arith.constant 32 : index
        %get3A_168 = tpu.vector_load %arg7[%get3A_166, %get3A_167] {strides = array<i32>} : memref<128x128xf32, #tpu.memory_space<vmem>>, vector<1x16xf32>,
        %get3A_169 = vector.shape_cast %get3A_168 : vector<1x16xf32> to vector<16xf32>
        %swap3A_170 = arith.index_cast %scan3A_149 : i32 to index
        %swap3A_171 = arith.constant 32 : index
        %swap3A_172 = tpu.vector_load %arg9[%swap3A_170, %swap3A_171] {strides = array<i32>} : memref<128x64xf32, #tpu.memory_space<vmem>>, vector<1x16xf32>,
        %swap3A_173 = vector.shape_cast %swap3A_172 : vector<1x16xf32> to vector<16xf32>
        %swap3A_174 = vector.shape_cast %get3A_169 : vector<16xf32> to vector<1x16xf32>
        tpu.vector_store %arg9[%swap3A_170, %swap3A_171], %swap3A_174 {strides = array<i32>} : memref<128x64xf32, #tpu.memory_space<vmem>>, vector<1x16xf32>,
        %get3A_175 = arith.index_cast %scan3A_149 : i32 to index
        %get3A_176 = arith.constant 48 : index
        %get3A_177 = tpu.vector_load %arg7[%get3A_175, %get3A_176] {strides = array<i32>} : memref<128x128xf32, #tpu.memory_space<vmem>>, vector<1x16xf32>,
        %get3A_178 = vector.shape_cast %get3A_177 : vector<1x16xf32> to vector<16xf32>
        %swap3A_179 = arith.index_cast %scan3A_149 : i32 to index
        %swap3A_180 = arith.constant 48 : index
        %swap3A_181 = tpu.vector_load %arg9[%swap3A_179, %swap3A_180] {strides = array<i32>} : memref<128x64xf32, #tpu.memory_space<vmem>>, vector<1x16xf32>,
        %swap3A_182 = vector.shape_cast %swap3A_181 : vector<1x16xf32> to vector<16xf32>
        %swap3A_183 = vector.shape_cast %get3A_178 : vector<16xf32> to vector<1x16xf32>
        tpu.vector_store %arg9[%swap3A_179, %swap3A_180], %swap3A_183 {strides = array<i32>} : memref<128x64xf32, #tpu.memory_space<vmem>>, vector<1x16xf32>,
      }
      %scan3A_115 = arith.constant 128 : i32
      %add3A_116 = arith.constant 1 : i32
      %add3A_117 = arith.addi %mul3A_74, %add3A_116 : i32
      %mul3A_118 = arith.constant 128 : i32
      %mul3A_119 = arith.muli %add3A_117, %mul3A_118 : i32
      %add3A_120 = arith.addi %mul3A_4, %mul3A_119 : i32
      %dma_start3A_121 = arith.constant 0 : i32
      %dma_start3A_122 = tpu.memref_slice %arg4[%add3A_120, %dma_start3A_121] : memref<819200x64xf32, #tpu.memory_space<hbm>> -> memref<128x64xf32, #tpu.memory_space<hbm>>
      %dma_start3A_123 = arith.constant 0 : i32
      %dma_start3A_124 = tpu.memref_slice %arg4[%add3A_120, %dma_start3A_123] : memref<819200x64xf32, #tpu.memory_space<hbm>> -> memref<128x64xf32, #tpu.memory_space<hbm>>
      tpu.enqueue_dma source(%arg9 : memref<128x64xf32, #tpu.memory_space<vmem>>) target(%dma_start3A_124 : memref<128x64xf32, #tpu.memory_space<hbm>>) target_semaphore(%arg13 : memref<!tpu.dma_semaphore, #tpu.memory_space<semaphore_mem>>)
      %add3A_125 = arith.constant 3 : i32
      %add3A_126 = arith.addi %mul3A_74, %add3A_125 : i32
      %dma_start3A_127 = arith.constant 0 : i32
      %dma_start3A_128 = tpu.memref_slice %arg5[%add3A_126, %dma_start3A_127] : memref<200x128xi32, #tpu.memory_space<vmem>> -> memref<1x128xi32, #tpu.memory_space<vmem>>
      %dma_start3A_129 = tpu.memref_squeeze %dma_start3A_128 : memref<1x128xi32, #tpu.memory_space<vmem>> -> memref<128xi32, #tpu.memory_space<vmem>>
      %dma_start3A_130 = arith.constant 0 : i32
      %dma_start3A_131 = arith.constant 0 : i32
      %dma_start3A_132 = tpu.memref_slice %arg3[%dma_start3A_130, %dma_start3A_131] : memref<1000000x128xf32, #tpu.memory_space<hbm>> -> memref<1000000x128xf32, #tpu.memory_space<hbm>>
      tpu.enqueue_indirect_dma source(%dma_start3A_132 : memref<1000000x128xf32, #tpu.memory_space<hbm>>) target(%arg7 : memref<128x128xf32, #tpu.memory_space<vmem>>) offsets(%dma_start3A_129 : memref<128xi32, #tpu.memory_space<vmem>>) semaphore(%arg11 : memref<!tpu.dma_semaphore, #tpu.memory_space<semaphore_mem>>)
      %mul3A_133 = arith.constant 128 : i32
      %mul3A_134 = arith.muli %mul3A_74, %mul3A_133 : i32
      %add3A_135 = arith.addi %mul3A_4, %mul3A_134 : i32
      %dma_wait3A_136 = arith.constant 0 : i32
      %dma_wait3A_137 = tpu.memref_slice %arg4[%add3A_135, %dma_wait3A_136] : memref<819200x64xf32, #tpu.memory_space<hbm>> -> memref<128x64xf32, #tpu.memory_space<hbm>>
      %dma_wait3A_138 = arith.constant 0 : i32
      %dma_wait3A_139 = tpu.memref_slice %arg4[%add3A_135, %dma_wait3A_138] : memref<819200x64xf32, #tpu.memory_space<hbm>> -> memref<128x64xf32, #tpu.memory_space<hbm>>
      tpu.wait_dma2 semaphore(%arg12 : memref<!tpu.dma_semaphore, #tpu.memory_space<semaphore_mem>>) src(%arg8 : memref<128x64xf32, #tpu.memory_space<vmem>>) dst(%dma_wait3A_139 : memref<128x64xf32, #tpu.memory_space<hbm>>)
      %add3A_140 = arith.constant 1 : i32
      %add3A_141 = arith.addi %mul3A_74, %add3A_140 : i32
      %mul3A_142 = arith.constant 128 : i32
      %mul3A_143 = arith.muli %add3A_141, %mul3A_142 : i32
      %add3A_144 = arith.addi %mul3A_4, %mul3A_143 : i32
      %dma_wait3A_145 = arith.constant 0 : i32
      %dma_wait3A_146 = tpu.memref_slice %arg4[%add3A_144, %dma_wait3A_145] : memref<819200x64xf32, #tpu.memory_space<hbm>> -> memref<128x64xf32, #tpu.memory_space<hbm>>
      %dma_wait3A_147 = arith.constant 0 : i32
      %dma_wait3A_148 = tpu.memref_slice %arg4[%add3A_144, %dma_wait3A_147] : memref<819200x64xf32, #tpu.memory_space<hbm>> -> memref<128x64xf32, #tpu.memory_space<hbm>>
      tpu.wait_dma2 semaphore(%arg13 : memref<!tpu.dma_semaphore, #tpu.memory_space<semaphore_mem>>) src(%arg9 : memref<128x64xf32, #tpu.memory_space<vmem>>) dst(%dma_wait3A_148 : memref<128x64xf32, #tpu.memory_space<hbm>>)
    }
    %scan3A_22 = arith.constant 99 : i32
    %dma_wait3A = arith.constant 0 : i32
    %dma_wait3A_23 = arith.constant 0 : i32
    %dma_wait3A_24 = tpu.memref_slice %arg5[%dma_wait3A, %dma_wait3A_23] : memref<200x128xi32, #tpu.memory_space<vmem>> -> memref<1x128xi32, #tpu.memory_space<vmem>>
    %dma_wait3A_25 = tpu.memref_squeeze %dma_wait3A_24 : memref<1x128xi32, #tpu.memory_space<vmem>> -> memref<128xi32, #tpu.memory_space<vmem>>
    %dma_wait3A_26 = arith.constant 0 : i32
    %dma_wait3A_27 = arith.constant 0 : i32
    %dma_wait3A_28 = tpu.memref_slice %arg3[%dma_wait3A_26, %dma_wait3A_27] : memref<1000000x128xf32, #tpu.memory_space<hbm>> -> memref<1000000x128xf32, #tpu.memory_space<hbm>>
    tpu.wait_indirect_dma semaphore(%arg10 : memref<!tpu.dma_semaphore, #tpu.memory_space<semaphore_mem>>) src(%dma_wait3A_28 : memref<1000000x128xf32, #tpu.memory_space<hbm>>) dst(%arg6 : memref<128x128xf32, #tpu.memory_space<vmem>>)
    %scan3A_29 = arith.constant 0 : i32
    %scan3A_30 = arith.constant 0 : i32
    %scan3A_31 = arith.constant 128 : i32
    %scan3A_32 = arith.addi %scan3A_30, %scan3A_31 : i32
    %scan3A_33 = arith.constant 1 : i32
    scf.for %scan3A_72 = %scan3A_30 to %scan3A_32 step %scan3A_33  : i32 {
      %get3A = arith.index_cast %scan3A_72 : i32 to index
      %get3A_73 = arith.constant 0 : index
      %get3A_74 = tpu.vector_load %arg6[%get3A, %get3A_73] {strides = array<i32>} : memref<128x128xf32, #tpu.memory_space<vmem>>, vector<1x16xf32>,
      %get3A_75 = vector.shape_cast %get3A_74 : vector<1x16xf32> to vector<16xf32>
      %swap3A = arith.index_cast %scan3A_72 : i32 to index
      %swap3A_76 = arith.constant 0 : index
      %swap3A_77 = tpu.vector_load %arg8[%swap3A, %swap3A_76] {strides = array<i32>} : memref<128x64xf32, #tpu.memory_space<vmem>>, vector<1x16xf32>,
      %swap3A_78 = vector.shape_cast %swap3A_77 : vector<1x16xf32> to vector<16xf32>
      %swap3A_79 = vector.shape_cast %get3A_75 : vector<16xf32> to vector<1x16xf32>
      tpu.vector_store %arg8[%swap3A, %swap3A_76], %swap3A_79 {strides = array<i32>} : memref<128x64xf32, #tpu.memory_space<vmem>>, vector<1x16xf32>,
      %get3A_80 = arith.index_cast %scan3A_72 : i32 to index
      %get3A_81 = arith.constant 16 : index
      %get3A_82 = tpu.vector_load %arg6[%get3A_80, %get3A_81] {strides = array<i32>} : memref<128x128xf32, #tpu.memory_space<vmem>>, vector<1x16xf32>,
      %get3A_83 = vector.shape_cast %get3A_82 : vector<1x16xf32> to vector<16xf32>
      %swap3A_84 = arith.index_cast %scan3A_72 : i32 to index
      %swap3A_85 = arith.constant 16 : index
      %swap3A_86 = tpu.vector_load %arg8[%swap3A_84, %swap3A_85] {strides = array<i32>} : memref<128x64xf32, #tpu.memory_space<vmem>>, vector<1x16xf32>,
      %swap3A_87 = vector.shape_cast %swap3A_86 : vector<1x16xf32> to vector<16xf32>
      %swap3A_88 = vector.shape_cast %get3A_83 : vector<16xf32> to vector<1x16xf32>
      tpu.vector_store %arg8[%swap3A_84, %swap3A_85], %swap3A_88 {strides = array<i32>} : memref<128x64xf32, #tpu.memory_space<vmem>>, vector<1x16xf32>,
      %get3A_89 = arith.index_cast %scan3A_72 : i32 to index
      %get3A_90 = arith.constant 32 : index
      %get3A_91 = tpu.vector_load %arg6[%get3A_89, %get3A_90] {strides = array<i32>} : memref<128x128xf32, #tpu.memory_space<vmem>>, vector<1x16xf32>,
      %get3A_92 = vector.shape_cast %get3A_91 : vector<1x16xf32> to vector<16xf32>
      %swap3A_93 = arith.index_cast %scan3A_72 : i32 to index
      %swap3A_94 = arith.constant 32 : index
      %swap3A_95 = tpu.vector_load %arg8[%swap3A_93, %swap3A_94] {strides = array<i32>} : memref<128x64xf32, #tpu.memory_space<vmem>>, vector<1x16xf32>,
      %swap3A_96 = vector.shape_cast %swap3A_95 : vector<1x16xf32> to vector<16xf32>
      %swap3A_97 = vector.shape_cast %get3A_92 : vector<16xf32> to vector<1x16xf32>
      tpu.vector_store %arg8[%swap3A_93, %swap3A_94], %swap3A_97 {strides = array<i32>} : memref<128x64xf32, #tpu.memory_space<vmem>>, vector<1x16xf32>,
      %get3A_98 = arith.index_cast %scan3A_72 : i32 to index
      %get3A_99 = arith.constant 48 : index
      %get3A_100 = tpu.vector_load %arg6[%get3A_98, %get3A_99] {strides = array<i32>} : memref<128x128xf32, #tpu.memory_space<vmem>>, vector<1x16xf32>,
      %get3A_101 = vector.shape_cast %get3A_100 : vector<1x16xf32> to vector<16xf32>
      %swap3A_102 = arith.index_cast %scan3A_72 : i32 to index
      %swap3A_103 = arith.constant 48 : index
      %swap3A_104 = tpu.vector_load %arg8[%swap3A_102, %swap3A_103] {strides = array<i32>} : memref<128x64xf32, #tpu.memory_space<vmem>>, vector<1x16xf32>,
      %swap3A_105 = vector.shape_cast %swap3A_104 : vector<1x16xf32> to vector<16xf32>
      %swap3A_106 = vector.shape_cast %get3A_101 : vector<16xf32> to vector<1x16xf32>
      tpu.vector_store %arg8[%swap3A_102, %swap3A_103], %swap3A_106 {strides = array<i32>} : memref<128x64xf32, #tpu.memory_space<vmem>>, vector<1x16xf32>,
    }
    %scan3A_34 = arith.constant 128 : i32
    %add3A_35 = arith.constant 25344 : i32
    %add3A_36 = arith.addi %mul3A_4, %add3A_35 : i32
    %dma_start3A_37 = arith.constant 0 : i32
    %dma_start3A_38 = tpu.memref_slice %arg4[%add3A_36, %dma_start3A_37] : memref<819200x64xf32, #tpu.memory_space<hbm>> -> memref<128x64xf32, #tpu.memory_space<hbm>>
    %dma_start3A_39 = arith.constant 0 : i32
    %dma_start3A_40 = tpu.memref_slice %arg4[%add3A_36, %dma_start3A_39] : memref<819200x64xf32, #tpu.memory_space<hbm>> -> memref<128x64xf32, #tpu.memory_space<hbm>>
    tpu.enqueue_dma source(%arg8 : memref<128x64xf32, #tpu.memory_space<vmem>>) target(%dma_start3A_40 : memref<128x64xf32, #tpu.memory_space<hbm>>) target_semaphore(%arg12 : memref<!tpu.dma_semaphore, #tpu.memory_space<semaphore_mem>>)
    %dma_wait3A_41 = arith.constant 0 : i32
    %dma_wait3A_42 = arith.constant 0 : i32
    %dma_wait3A_43 = tpu.memref_slice %arg5[%dma_wait3A_41, %dma_wait3A_42] : memref<200x128xi32, #tpu.memory_space<vmem>> -> memref<1x128xi32, #tpu.memory_space<vmem>>
    %dma_wait3A_44 = tpu.memref_squeeze %dma_wait3A_43 : memref<1x128xi32, #tpu.memory_space<vmem>> -> memref<128xi32, #tpu.memory_space<vmem>>
    %dma_wait3A_45 = arith.constant 0 : i32
    %dma_wait3A_46 = arith.constant 0 : i32
    %dma_wait3A_47 = tpu.memref_slice %arg3[%dma_wait3A_45, %dma_wait3A_46] : memref<1000000x128xf32, #tpu.memory_space<hbm>> -> memref<1000000x128xf32, #tpu.memory_space<hbm>>
    tpu.wait_indirect_dma semaphore(%arg11 : memref<!tpu.dma_semaphore, #tpu.memory_space<semaphore_mem>>) src(%dma_wait3A_47 : memref<1000000x128xf32, #tpu.memory_space<hbm>>) dst(%arg7 : memref<128x128xf32, #tpu.memory_space<vmem>>)
    %scan3A_48 = arith.constant 0 : i32
    %scan3A_49 = arith.constant 0 : i32
    %scan3A_50 = arith.constant 128 : i32
    %scan3A_51 = arith.addi %scan3A_49, %scan3A_50 : i32
    %scan3A_52 = arith.constant 1 : i32
    scf.for %scan3A_72 = %scan3A_49 to %scan3A_51 step %scan3A_52  : i32 {
      %get3A = arith.index_cast %scan3A_72 : i32 to index
      %get3A_73 = arith.constant 0 : index
      %get3A_74 = tpu.vector_load %arg7[%get3A, %get3A_73] {strides = array<i32>} : memref<128x128xf32, #tpu.memory_space<vmem>>, vector<1x16xf32>,
      %get3A_75 = vector.shape_cast %get3A_74 : vector<1x16xf32> to vector<16xf32>
      %swap3A = arith.index_cast %scan3A_72 : i32 to index
      %swap3A_76 = arith.constant 0 : index
      %swap3A_77 = tpu.vector_load %arg9[%swap3A, %swap3A_76] {strides = array<i32>} : memref<128x64xf32, #tpu.memory_space<vmem>>, vector<1x16xf32>,
      %swap3A_78 = vector.shape_cast %swap3A_77 : vector<1x16xf32> to vector<16xf32>
      %swap3A_79 = vector.shape_cast %get3A_75 : vector<16xf32> to vector<1x16xf32>
      tpu.vector_store %arg9[%swap3A, %swap3A_76], %swap3A_79 {strides = array<i32>} : memref<128x64xf32, #tpu.memory_space<vmem>>, vector<1x16xf32>,
      %get3A_80 = arith.index_cast %scan3A_72 : i32 to index
      %get3A_81 = arith.constant 16 : index
      %get3A_82 = tpu.vector_load %arg7[%get3A_80, %get3A_81] {strides = array<i32>} : memref<128x128xf32, #tpu.memory_space<vmem>>, vector<1x16xf32>,
      %get3A_83 = vector.shape_cast %get3A_82 : vector<1x16xf32> to vector<16xf32>
      %swap3A_84 = arith.index_cast %scan3A_72 : i32 to index
      %swap3A_85 = arith.constant 16 : index
      %swap3A_86 = tpu.vector_load %arg9[%swap3A_84, %swap3A_85] {strides = array<i32>} : memref<128x64xf32, #tpu.memory_space<vmem>>, vector<1x16xf32>,
      %swap3A_87 = vector.shape_cast %swap3A_86 : vector<1x16xf32> to vector<16xf32>
      %swap3A_88 = vector.shape_cast %get3A_83 : vector<16xf32> to vector<1x16xf32>
      tpu.vector_store %arg9[%swap3A_84, %swap3A_85], %swap3A_88 {strides = array<i32>} : memref<128x64xf32, #tpu.memory_space<vmem>>, vector<1x16xf32>,
      %get3A_89 = arith.index_cast %scan3A_72 : i32 to index
      %get3A_90 = arith.constant 32 : index
      %get3A_91 = tpu.vector_load %arg7[%get3A_89, %get3A_90] {strides = array<i32>} : memref<128x128xf32, #tpu.memory_space<vmem>>, vector<1x16xf32>,
      %get3A_92 = vector.shape_cast %get3A_91 : vector<1x16xf32> to vector<16xf32>
      %swap3A_93 = arith.index_cast %scan3A_72 : i32 to index
      %swap3A_94 = arith.constant 32 : index
      %swap3A_95 = tpu.vector_load %arg9[%swap3A_93, %swap3A_94] {strides = array<i32>} : memref<128x64xf32, #tpu.memory_space<vmem>>, vector<1x16xf32>,
      %swap3A_96 = vector.shape_cast %swap3A_95 : vector<1x16xf32> to vector<16xf32>
      %swap3A_97 = vector.shape_cast %get3A_92 : vector<16xf32> to vector<1x16xf32>
      tpu.vector_store %arg9[%swap3A_93, %swap3A_94], %swap3A_97 {strides = array<i32>} : memref<128x64xf32, #tpu.memory_space<vmem>>, vector<1x16xf32>,
      %get3A_98 = arith.index_cast %scan3A_72 : i32 to index
      %get3A_99 = arith.constant 48 : index
      %get3A_100 = tpu.vector_load %arg7[%get3A_98, %get3A_99] {strides = array<i32>} : memref<128x128xf32, #tpu.memory_space<vmem>>, vector<1x16xf32>,
      %get3A_101 = vector.shape_cast %get3A_100 : vector<1x16xf32> to vector<16xf32>
      %swap3A_102 = arith.index_cast %scan3A_72 : i32 to index
      %swap3A_103 = arith.constant 48 : index
      %swap3A_104 = tpu.vector_load %arg9[%swap3A_102, %swap3A_103] {strides = array<i32>} : memref<128x64xf32, #tpu.memory_space<vmem>>, vector<1x16xf32>,
      %swap3A_105 = vector.shape_cast %swap3A_104 : vector<1x16xf32> to vector<16xf32>
      %swap3A_106 = vector.shape_cast %get3A_101 : vector<16xf32> to vector<1x16xf32>
      tpu.vector_store %arg9[%swap3A_102, %swap3A_103], %swap3A_106 {strides = array<i32>} : memref<128x64xf32, #tpu.memory_space<vmem>>, vector<1x16xf32>,
    }
    %scan3A_53 = arith.constant 128 : i32
    %add3A_54 = arith.constant 25472 : i32
    %add3A_55 = arith.addi %mul3A_4, %add3A_54 : i32
    %dma_start3A_56 = arith.constant 0 : i32
    %dma_start3A_57 = tpu.memref_slice %arg4[%add3A_55, %dma_start3A_56] : memref<819200x64xf32, #tpu.memory_space<hbm>> -> memref<128x64xf32, #tpu.memory_space<hbm>>
    %dma_start3A_58 = arith.constant 0 : i32
    %dma_start3A_59 = tpu.memref_slice %arg4[%add3A_55, %dma_start3A_58] : memref<819200x64xf32, #tpu.memory_space<hbm>> -> memref<128x64xf32, #tpu.memory_space<hbm>>
    tpu.enqueue_dma source(%arg9 : memref<128x64xf32, #tpu.memory_space<vmem>>) target(%dma_start3A_59 : memref<128x64xf32, #tpu.memory_space<hbm>>) target_semaphore(%arg13 : memref<!tpu.dma_semaphore, #tpu.memory_space<semaphore_mem>>)
    %add3A_60 = arith.constant 25344 : i32
    %add3A_61 = arith.addi %mul3A_4, %add3A_60 : i32
    %dma_wait3A_62 = arith.constant 0 : i32
    %dma_wait3A_63 = tpu.memref_slice %arg4[%add3A_61, %dma_wait3A_62] : memref<819200x64xf32, #tpu.memory_space<hbm>> -> memref<128x64xf32, #tpu.memory_space<hbm>>
    %dma_wait3A_64 = arith.constant 0 : i32
    %dma_wait3A_65 = tpu.memref_slice %arg4[%add3A_61, %dma_wait3A_64] : memref<819200x64xf32, #tpu.memory_space<hbm>> -> memref<128x64xf32, #tpu.memory_space<hbm>>
    tpu.wait_dma2 semaphore(%arg12 : memref<!tpu.dma_semaphore, #tpu.memory_space<semaphore_mem>>) src(%arg8 : memref<128x64xf32, #tpu.memory_space<vmem>>) dst(%dma_wait3A_65 : memref<128x64xf32, #tpu.memory_space<hbm>>)
    %add3A_66 = arith.constant 25472 : i32
    %add3A_67 = arith.addi %mul3A_4, %add3A_66 : i32
    %dma_wait3A_68 = arith.constant 0 : i32
    %dma_wait3A_69 = tpu.memref_slice %arg4[%add3A_67, %dma_wait3A_68] : memref<819200x64xf32, #tpu.memory_space<hbm>> -> memref<128x64xf32, #tpu.memory_space<hbm>>
    %dma_wait3A_70 = arith.constant 0 : i32
    %dma_wait3A_71 = tpu.memref_slice %arg4[%add3A_67, %dma_wait3A_70] : memref<819200x64xf32, #tpu.memory_space<hbm>> -> memref<128x64xf32, #tpu.memory_space<hbm>>
    tpu.wait_dma2 semaphore(%arg13 : memref<!tpu.dma_semaphore, #tpu.memory_space<semaphore_mem>>) src(%arg9 : memref<128x64xf32, #tpu.memory_space<vmem>>) dst(%dma_wait3A_71 : memref<128x64xf32, #tpu.memory_space<hbm>>)
    return
  }
}

module attributes {stable_mosaic.version = 14 : i64} {
  func.func @_widen_body(%arg0: i32, %arg1: memref<64x16384xf32, #tpu.memory_space<vmem>>, %arg2: memref<16384x128xf32, #tpu.memory_space<vmem>>) attributes {dimension_semantics = [#tpu.dimension_semantics<arbitrary>], iteration_bounds = array<i64: 62>, scalar_prefetch = 0 : i64, scratch_operands = 0 : i64, tpu.core_type = #tpu.core_type<tc>, window_params = [{transform_indices = @transform_0, window_bounds = array<i64: 64, 16384>}, {transform_indices = @transform_1, window_bounds = array<i64: 16384, 128>}]} {
    %get3A = arith.constant 0 : index
    %get3A_0 = arith.constant 0 : index
    %get3A_1 = vector.load %arg1[%get3A, %get3A_0] : memref<64x16384xf32, #tpu.memory_space<vmem>>, vector<64x16384xf32>
    %transpose3A = tpu.transpose %get3A_1, [1, 0] : vector<64x16384xf32> -> vector<16384x64xf32>
    %mul3A = arith.constant 8.000000e+00 : f32
    %mul3A_2 = vector.broadcast %mul3A : f32 to vector<16384x64xf32>
    %mul3A_3 = arith.mulf %transpose3A, %mul3A_2 : vector<16384x64xf32>
    %concatenate3A = tpu.concatenate %mul3A_3, %mul3A_3 in 1 : vector<16384x64xf32>, vector<16384x64xf32> -> vector<16384x128xf32>
    %swap3A = arith.constant 0 : index
    %swap3A_4 = arith.constant 0 : index
    %swap3A_5 = vector.load %arg2[%swap3A, %swap3A_4] : memref<16384x128xf32, #tpu.memory_space<vmem>>, vector<16384x128xf32>
    tpu.vector_store %arg2[%swap3A, %swap3A_4], %concatenate3A {strides = array<i32>} : memref<16384x128xf32, #tpu.memory_space<vmem>>, vector<16384x128xf32>,
    return
  }
  func.func @transform_0(%arg0: i32) -> (i32, i32) {
    %c0_i32 = arith.constant 0 : i32
    %c0_i32_0 = arith.constant 0 : i32
    return %c0_i32, %arg0 : i32, i32
  }
  func.func @transform_1(%arg0: i32) -> (i32, i32) {
    %c0_i32 = arith.constant 0 : i32
    %c0_i32_0 = arith.constant 0 : i32
    return %arg0, %c0_i32 : i32, i32
  }
}

</mosaic_0001>

<sc_bundles>
// kernel: kernel.4.cloned.1.call-start
scs
__scs_entry_jumppad:
0x0: {  	(pc) =	sbr.rel $0x88, $3  }
0x1: {  	(tag) =	ssettag $0x0;
	lr =	simm.s32 $0x1  }
0x2: {  	[smem:$0x3F9F] =	sst lr;
	_ =	strace $0xD0000000  }
0x3: {  	_ = 	snop  }
0x4: {  	_ = 	snop  }
0x5: {  	_ = 	snop  }
0x6: {  	_ = 	snop  }
0x7: {  	_ = 	snop  }
__scs_overlays_trampoline_lowered:
0x8: {  	[smem:$0x3FAE] =	sst s0  }
0x9: {  	[smem:$0x3FAF] =	sst s1  }
0xa: {  	[smem:$0x3FB0] =	sst s2  }
0xb: {  	[smem:$0x3FB1] =	sst s3  }
0xc: {  	[smem:$0x3FB2] =	sst s4  }
0xd: {  	[smem:$0x3FB3] =	sst s5  }
0xe: {  	[smem:$0x3FB4] =	sst s6  }
0xf: {  	[smem:$0x3FB5] =	sst s7  }
0x10: {  	[smem:$0x3FB6] =	sst s8  }
0x11: {  	[smem:$0x3FB7] =	sst s9;
	s0 =	simm.s32 @!p0 $0x0  }
0x12: {  	s1 =	sld [smem:$0x3F9D];
	s0 =	simm.s32 @p0 $0x1  }
0x13: {  	[smem:$0x3FB8] =	sst s0;
	s0 =	simm.s32 @!p1 $0x0  }
0x14: {  	s2 =	sld [smem:$0x3F9C];
	s0 =	simm.s32 @p1 $0x1  }
0x15: {  	[smem:$0x3FB9] =	sst s0;
	s0 =	simm.s32 @!p2 $0x0  }
0x16: {  	s3 =	sld [smem:$0x3FDB];
	s0 =	simm.s32 @p2 $0x1  }
0x17: {  	s4 =	simm.s32 $0x1BF5;
	[smem:$0x3FBB] =	sst s0  }
0x18: {  	s0 =	sld [smem:$0x3F9E];
	_ =	swait.ge [sflag:s4], $0x0  }
0x19: {  	s7 =	sld [smem:$0x3F9F]  }
0x1a: {  	s8 =	sadd.s32 $0xFFFFE003, lr  }
0x1b: {  	s9 =	sadd.s32 $0xFFFFFEF7, lr;
	s5 =	simm.s32 $0xFFFFFFFF;
	p2 =	slt.u32 s8, $0xFFFFF086  }
0x1c: {  	p1 =	slt.u32 s9, $0xF7A;
	s5 =	simm.s32 @!p2 $0x0  }
0x1d: {  	s5 =	simm.s32 @p1 $0x1;
	p0 =	seq.s32 s7, s2  }
0x1e: {  	s7 =	smul.u32 @!p0 $0xF7A, s2;
	p2 =	seq.s32 @!p0 s5, $0x0  }
0x1f: {  	s9 =	smul.u32 $0xF7A, s1;
	s8 =	simm.s32 @!p0 $0x1BF5;
	p2 =	por !p2, p0  }
0x20: {  	[sflag:s8] =	ssyncset.s32 @!p0 $0xFFFFF086;
	s6 =	sadd.s32 @!p0 s3, s7;
	s7 =	simm.s32 @!p0 $0x108  }
0x21: {  	s3 =	sadd.s32 s3, s9;
	s6 =	sadd.s32 @!p0 $0x88, s6;
	s7 =	simm.s32 @p2 $0x1082  }
0x22: {  	[simem:s7], [sflag:s8] =	dma.local @!p0 [hbm:s6], $0xF7A  }
0x23: {  	s9 =	sor.u32 $0xD0000000, s2;
	s6 =	simm.s32 $0x108;
	_ =	swait.ge @!p0 [sflag:s8], $0x0  }
0x24: {  	s3 =	sadd.s32 $0x88, s3;
	s6 =	simm.s32 @!p1 $0x1082;
	[sflag:s4] =	ssyncset.s32 $0xFFFFF086  }
0x25: {  	[simem:s6], [sflag:s4] =	dma.local [hbm:s3], $0xF7A  }
0x26: {  	[smem:$0x3F9F] =	sst s1;
	(tag) =	ssettag s2;
	_ =	strace s9  }
0x27: {  	s1 =	sld [smem:$0x3FAF]  }
0x28: {  	s2 =	sld [smem:$0x3FB0]  }
0x29: {  	s4 =	sld [smem:$0x3FB2]  }
0x2a: {  	p0 =	seq.s32 s5, $0x0;
	s5 =	sld [smem:$0x3FB3]  }
0x2b: {  	s6 =	sld [smem:$0x3FB4]  }
0x2c: {  	s7 =	sld [smem:$0x3FB5]  }
0x2d: {  	s3 =	simm.s32 $0x108;
	s8 =	sld [smem:$0x3FB6]  }
0x2e: {  	s3 =	simm.s32 @!p0 $0x1082;
	s9 =	sld [smem:$0x3FB7]  }
0x2f: {  	lr =	sadd.s32 s0, s3;
	s0 =	sld [smem:$0x3FAE]  }
0x30: {  	s3 =	sld [smem:$0x3FB1]  }
0x31: {  	[smem:$0x3FBA] =	sst s10  }
0x32: {  	s10 =	sld [smem:$0x3FB8];
	_ =	sdelay $0x3  }
0x33: {  	p0 =	seq.s32 s10, $0x1;
	s10 =	sld [smem:$0x3FBA];
	_ =	sdelay $0x3  }
0x34: {  	[smem:$0x3FBA] =	sst s10  }
0x35: {  	s10 =	sld [smem:$0x3FB9];
	_ =	sdelay $0x3  }
0x36: {  	p1 =	seq.s32 s10, $0x1;
	s10 =	sld [smem:$0x3FBA];
	_ =	sdelay $0x3  }
0x37: {  	[smem:$0x3FBA] =	sst s10  }
0x38: {  	s10 =	sld [smem:$0x3FBB]  }
0x39: {  	_ = 	snop;
	(pc) =	sbr.ind lr, $3  }
0x3a: {  	_ = 	snop  }
0x3b: {  	_ = 	snop  }
0x3c: {  	p2 =	seq.s32 s10, $0x1;
	s10 =	sld [smem:$0x3FBA]  }
0x3d: {  	_ =	shalt  }
0x3e: {  	_ =	shalt  }
0x3f: {  	_ =	shalt  }
0x40: {  	_ =	shalt  }
0x41: {  	_ =	shalt  }
0x42: {  	_ =	shalt  }
0x43: {  	_ =	shalt  }
0x44: {  	_ =	shalt  }
0x45: {  	_ =	shalt  }
0x46: {  	_ =	shalt  }
0x47: {  	_ =	shalt  }
0x48: {  	_ =	shalt  }
0x49: {  	_ =	shalt  }
0x4a: {  	_ =	shalt  }
0x4b: {  	_ =	shalt  }
0x4c: {  	_ =	shalt  }
0x4d: {  	_ =	shalt  }
0x4e: {  	_ =	shalt  }
0x4f: {  	_ =	shalt  }
0x50: {  	_ =	shalt  }
0x51: {  	_ =	shalt  }
0x52: {  	_ =	shalt  }
0x53: {  	_ =	shalt  }
0x54: {  	_ =	shalt  }
0x55: {  	_ =	shalt  }
0x56: {  	_ =	shalt  }
0x57: {  	_ =	shalt  }
0x58: {  	_ =	shalt  }
0x59: {  	_ =	shalt  }
0x5a: {  	_ =	shalt  }
0x5b: {  	_ =	shalt  }
0x5c: {  	_ =	shalt  }
0x5d: {  	_ =	shalt  }
0x5e: {  	_ =	shalt  }
0x5f: {  	_ =	shalt  }
0x60: {  	_ =	shalt  }
0x61: {  	_ =	shalt  }
0x62: {  	_ =	shalt  }
0x63: {  	_ =	shalt  }
0x64: {  	_ =	shalt  }
0x65: {  	_ =	shalt  }
0x66: {  	_ =	shalt  }
0x67: {  	_ =	shalt  }
0x68: {  	_ =	shalt  }
0x69: {  	_ =	shalt  }
0x6a: {  	_ =	shalt  }
0x6b: {  	_ =	shalt  }
0x6c: {  	_ =	shalt  }
0x6d: {  	_ =	shalt  }
0x6e: {  	_ =	shalt  }
0x6f: {  	_ =	shalt  }
0x70: {  	_ =	shalt  }
0x71: {  	_ =	shalt  }
0x72: {  	_ =	shalt  }
0x73: {  	_ =	shalt  }
0x74: {  	_ =	shalt  }
0x75: {  	_ =	shalt  }
0x76: {  	_ =	shalt  }
0x77: {  	_ =	shalt  }
0x78: {  	_ =	shalt  }
0x79: {  	_ =	shalt  }
0x7a: {  	_ =	shalt  }
0x7b: {  	_ =	shalt  }
0x7c: {  	_ =	shalt  }
0x7d: {  	_ =	shalt  }
0x7e: {  	_ =	shalt  }
0x7f: {  	_ =	shalt  }
0x80: {  	_ =	shalt  }
0x81: {  	_ =	shalt  }
0x82: {  	_ =	shalt  }
0x83: {  	_ =	shalt  }
0x84: {  	_ =	shalt  }
0x85: {  	_ =	shalt  }
0x86: {  	_ =	shalt  }
0x87: {  	_ =	shalt  }
.Lfunc_end0:
.L_simem_size_0:
called_computation.1_lowered:
.L_overlay_start_0:
0x88: {  	s2 =	sld [smem:$0x3FD9]  }
0x89: {  	s3 =	sld [smem:$0x3FFE];
	_ =	sdelay $0x1  }
0x8a: {  	s1 =	srdreg.scid  }
0x8b: {  	s0 =	sand.u32 $0x1, s1  }
0x8c: {  	s17 =	sshll.u32 s0, $0xA;
	s2 =	sadd.s32 s3, s2  }
0x8d: {  	s2 =	sadd.s32 s2, s17  }
0x8e: {  	[smem:$0x3FC6] =	sst s2  }
0x8f: {  	_ = 	snop  }
0x90: {  	s2 =	sld [smem:$0x3FD0];
	(tm) =	ssettm $0x1  }
0x91: {  	s18 =	sld [smem:$0x3FFB];
	_ =	sdelay $0x3  }
0x92: {  	_ =	strace s18  }
0x93: {  	s3 =	sld [smem:$0x3FFC];
	_ =	sdelay $0x3  }
0x94: {  	_ =	strace s3  }
0x95: {  	s3 =	sld [smem:$0x3FFD];
	_ =	sdelay $0x3  }
0x96: {  	_ =	strace s3  }
0x97: {  	_ =	strace $0x8FFFFFFF  }
0x98: {  	s19 =	sld [smem:$0x3FDB];
	_ =	sdelay $0x1  }
0x99: {  	s4 =	simm.s32 $_scs_section_size  }
0x9a: {  	s5 =	simm.s32 $_size__tile_overlayer_lowered;
	s6 =	simm.s32 $_tile_overlayer_lowered  }
0x9b: {  	s22 =	simm.s32 $0x1BFF;
	s21 =	sshll.u32 s6, $0x1;
	s3 =	sadd.s32 s4, s19  }
0x9c: {  	s7 =	simm.s32 $0x0;
	s20 =	sshll.u32 s5, $0x1;
	s5 =	sadd.s32 s21, s3  }
0x9d: {  	[timem:s7], [sflag:s22] =	dma.local [hbm:s5], s20  }
0x9e: {  	_ =	swait.ge [sflag:s22], s20  }
0x9f: {  	s4 =	ssub.s32 $0x0, s20;
	[sflag:s22] =	ssyncset.done $0x0  }
0xa0: {  	[sflag:s22] =	ssyncadd.s32 s4;
	_ =	sdelay $0x1  }
0xa1: {  	s23 =	simm.s32 $0x1B8B  }
0xa2: {  	_ =	swait.ge [sflag:s23], $0x1  }
0xa3: {  	[sflag:s23] =	ssyncset.done $0x0  }
0xa4: {  	s25 =	simm.s32 $0x1B8E;
	s24 =	sld [smem:$0x3FFE];
	[sflag:s23] =	ssyncadd.s32 $0xFFFFFFFF  }
0xa5: {  	s26 =	simm.s32 $execute0_lowered;
	[smem:$0x3FD2] =	sst s25  }
0xa6: {  	s5 =	sshll.u32 s26, $0x1;
	_ =	strace $0x80000046;
	[dreg:$0x1] =	wrdreg $0xFFFFFFFF  }
0xa7: {  	s28 =	simm.s32 $_size_execute0_lowered;
	s3 =	sadd.s32 s3, s5;
	[dreg:$0x0] =	wrdreg $0x0  }
0xa8: {  	s5 =	sshll.u32 s28, $0x1;
	[dreg:$0x2] =	wrdreg s3  }
0xa9: {  	[dreg:$0x3] =	wrdreg s5  }
0xaa: {  	[dreg:$0x4] =	wrdreg $0xC0  }
0xab: {  	_ =	task [dreg:s7], $0x5FFFF  }
0xac: {  	[dreg:$0x1] =	wrdreg $0xFFFFFFFF  }
0xad: {  	[dreg:$0x0] =	wrdreg $0x60  }
0xae: {  	[dreg:$0x2] =	wrdreg s2  }
0xaf: {  	[dreg:$0x3] =	wrdreg s24  }
0xb0: {  	[dreg:$0x4] =	wrdreg $0x9  }
0xb1: {  	_ =	task.clear_ibuf [dreg:s7], $0x5FFFF;
	_ =	strace $0x90000046  }
0xb2: {  	s29 =	simm.s32 $0x9;
	_ =	strace $0x80000048  }
0xb3: {  	_ =	swait.ge [sflag:s29], $0x1  }
0xb4: {  	[sflag:s29] =	ssyncadd.s32 $0xFFFFFFFF  }
0xb5: {  	_ =	strace $0x90000048  }
0xb6: {  	_ =	sfence  }
0xb7: {  	s30 =	sld [smem:$0x0];
	_ =	sdelay $0x2  }
0xb8: {  	s31 =	sshll.u32 s1, $0xD;
	s1 =	sshrl.u32 s1, $0x2  }
0xb9: {  	s3 =	sand.u32 $0x4000, s31;
	s1 =	sadd.s32 s1, s30  }
0xba: {  	s0 =	sor.u32 s3, s0;
	s1 =	sshll.u32 s1, $0x11  }
0xbb: {  	s0 =	sor.u32 s1, s0  }
0xbc: {  	s0 =	sadd.s32 $0x8F2B, s0  }
0xbd: {  	[sflag:s0] =	ssyncadd.remote.s32 $0x1  }
0xbe: {  	_ =	sfence.sel $0xFFFF  }
0xbf: {  	[dreg:$0x0] =	wrdreg $0xFFFFFFFF;
	(pc) =	sbr.abs _section_cstart, $3  }
0xc0: {  	[dreg:$0x1] =	wrdreg $0xFFFFFFFF  }
0xc1: {  	_ =	task.clear_ibuf [dreg:s7], $0x2FFFF;
	_ =	strace $0x9FFFFFFF  }
0xc2: {  	(tm) =	ssettm $0x7FFFFFFF  }
0xc3: {  	_ =	shalt  }
tec
execute0_lowered:
.L_overlay_start_1:
0x0: {  	(tag) =	ssettag $0x1  }
0x1: {  	s6 =	rddreg [dreg:$0x0]  }
0x2: {  	s5 =	rddreg [dreg:$0x1]  }
0x3: {  	s0 =	rddreg [dreg:$0x2]  }
0x4: {  	s3 =	srdreg.scid;
	s1 =	stileid.u32  }
0x5: {  	s2 =	simm.s32 $0x0;
	s13 =	simm.s32 $0x6400;
	s14 =	simm.s32 $0xA400  }
0x6: {  	s15 =	simm.s32 $0x1;
	s16 =	simm.s32 $0xE400;
	s17 =	simm.s32 $0x2  }
0x7: {  	s18 =	simm.s32 $0x12400;
	s7 =	sand.u32 $0x1, s3;
	s30 =	sshll.u32 s1, $0x1  }
0x8: {  	s19 =	simm.s32 $0x3;
	s20 =	simm.s32 $0x4;
	s8 =	sor.u32 s7, s30  }
0x9: {  	s21 =	simm.s32 $0x0;
	[smem:$0x7FF] =	sst s2;
	s3 =	smul.u32 $0x320000, s8  }
0xa: {  	s4 =	sadd.s32 $0x800, s5;
	s7 =	ssub.s32 $0x2, s7;
	s9 =	smul.u32 $0xC80, s8  }
0xb: {  	s5 =	sadd.s32 $0xF42C00, s5;
	s11 =	sshrl.u32 s7, $0x1;
	s12 =	smul.u32 $0x64000, s8  }
0xc: {  	_ =	strace $0x80000047;
	s11 =	ssub.s32 s7, s11;
	s10 =	sshrl.u32 s3, $0x3  }
0xd: {  	s6 =	sadd.s32 s6, s9;
	s9 =	smax.u32 s11, $0x1;
	s31 =	sadd.s32 s12, s5  }
0xe: {  	s11 =	simm.s32 $0x5;
	s12 =	simm.s32 $0x80;
	s10 =	sadd.s32 s5, s10  }
0xf: {  	s7 =	sadd.s32 $0x63000, s10;
	s8 =	sadd.s32 $0x63800, s10;
	s10 =	sadd.s32 $0x800, s31  }
.LBB2_1:
0x10: {  	[tilespmem:s2], [sflag:$0x5] =	stream.linear.gather [hbm4b:s6+s2], $0x6400, $0x38;
	[tilespmem:$0x16400] =	vst v63  }
0x11: {  	_ =	swait.ge [sflag:s11], $0x6400  }
0x12: {  	[sflag:s11] =	ssyncset.done $0x0  }
0x13: {  	[sflag:s11] =	ssyncadd.s32 $0xFFFF9C00  }
0x14: {  	[tilespmem:s13], [sflag:$0x1] =	stream.indirect.gather [hbm4b:s4+s12], $0x80, s2, s12, $0xb8;
	[tilespmem:$0x16400] =	vst v63  }
0x15: {  	s22 =	simm.s32 $0x0  }
0x16: {  	[tilespmem:s14], [sflag:$0x2] =	stream.indirect.gather [hbm4b:s4+s12], $0x80, s12, s12, $0xb8;
	[tilespmem:$0x16400] =	vst v63  }
.LBB2_2:
0x17: {  	_ =	swait.ge [sflag:s15], $0x4000  }
0x18: {  	[sflag:s15] =	ssyncset.done $0x0  }
0x19: {  	s23 =	simm.s32 $0x0;
	[sflag:s15] =	ssyncadd.s32 $0xFFFFC000  }
0x1a: {  	v3 =	vld [tilespmem:s23+$0x6430]  }
0x1b: {  	v1 =	vld [tilespmem:s23+$0x6400]  }
0x1c: {  	v0 =	vld [tilespmem:s23+$0x6410]  }
0x1d: {  	s24 =	simm.s32 $0x200;
	v2 =	vld [tilespmem:s23+$0x6420]  }
.LBB2_3:
0x1e: {  	p0 =	sne.s32 s24, $0xFE00  }
.Ltmp0:
0x1f: {  	s25 =	sshra.s32 s24, $0x2;
	s24 =	sadd.s32 $0x200, s24;
	[tilespmem:s23+$0xE430] =	vst v3;
	(pc) =	sbr.rel @p0 .LBB2_3-.Ltmp0, $4  }
0x20: {  	v3 =	vld [tilespmem:s25+$0x6430];
	[tilespmem:s23+$0xE400] =	vst v1  }
0x21: {  	v1 =	vld [tilespmem:s25+$0x6400];
	[tilespmem:s23+$0xE410] =	vst v0  }
0x22: {  	v0 =	vld [tilespmem:s25+$0x6410];
	[tilespmem:s23+$0xE420] =	vst v2;
	s23 =	smov.u32 s25  }
0x23: {  	v2 =	vld [tilespmem:s23+$0x6420]  }
0x24: {  	_ = 	snop  }
0x25: {  	s24 =	sshll.u32 s22, $0xF;
	[tilespmem:s23+$0xE430] =	vst v3  }
0x26: {  	s24 =	sadd.s32 s3, s24;
	[tilespmem:s23+$0xE400] =	vst v1  }
0x27: {  	s30 =	sshll.u32 s22, $0x8;
	s24 =	sshrl.u32 s24, $0x3;
	[tilespmem:s23+$0xE410] =	vst v0  }
0x28: {  	s29 =	simm.s32 $0x0;
	s28 =	sadd.s32 s5, s24;
	[tilespmem:s23+$0xE420] =	vst v2;
	s23 =	sand.u32 $0x3FFFFF00, s30  }
0x29: {  	[hbm4b:s28+s29] =	stream.linear.scatter [tilespmem:s16], [sflag:$0x3], $0x4000, $0x38;
	[tilespmem:$0x16400] =	vst v63  }
0x2a: {  	s31 =	sadd.s32 $0x100, s23  }
0x2b: {  	[tilespmem:s13], [sflag:$0x1] =	stream.indirect.gather [hbm4b:s4+s12], $0x80, s31, s12, $0xb8;
	[tilespmem:$0x16400] =	vst v63  }
0x2c: {  	_ =	swait.ge [sflag:s17], $0x4000  }
0x2d: {  	[sflag:s17] =	ssyncset.done $0x0  }
0x2e: {  	s24 =	simm.s32 $0x0;
	[sflag:s17] =	ssyncadd.s32 $0xFFFFC000  }
0x2f: {  	v0 =	vld [tilespmem:s24+$0xA430]  }
0x30: {  	v1 =	vld [tilespmem:s24+$0xA400]  }
0x31: {  	v2 =	vld [tilespmem:s24+$0xA410]  }
0x32: {  	s25 =	simm.s32 $0x200;
	v3 =	vld [tilespmem:s24+$0xA420]  }
.LBB2_5:
0x33: {  	p0 =	sne.s32 s25, $0xFE00  }
.Ltmp1:
0x34: {  	s26 =	sshra.s32 s25, $0x2;
	s25 =	sadd.s32 $0x200, s25;
	[tilespmem:s24+$0x12430] =	vst v0;
	(pc) =	sbr.rel @p0 .LBB2_5-.Ltmp1, $4  }
0x35: {  	v0 =	vld [tilespmem:s26+$0xA430];
	[tilespmem:s24+$0x12400] =	vst v1  }
0x36: {  	v1 =	vld [tilespmem:s26+$0xA400];
	[tilespmem:s24+$0x12410] =	vst v2  }
0x37: {  	v2 =	vld [tilespmem:s26+$0xA410];
	[tilespmem:s24+$0x12420] =	vst v3;
	s24 =	smov.u32 s26  }
0x38: {  	v3 =	vld [tilespmem:s24+$0xA420]  }
0x39: {  	_ = 	snop  }
0x3a: {  	[tilespmem:s24+$0x12430] =	vst v0  }
0x3b: {  	[tilespmem:s24+$0x12400] =	vst v1  }
0x3c: {  	s25 =	sshll.u32 s22, $0xC;
	[tilespmem:s24+$0x12410] =	vst v2  }
0x3d: {  	s31 =	sadd.s32 s10, s25;
	[tilespmem:s24+$0x12420] =	vst v3  }
0x3e: {  	[hbm4b:s31+s2] =	stream.linear.scatter [tilespmem:s18], [sflag:$0x4], $0x4000, $0x38;
	[tilespmem:$0x16400] =	vst v63  }
0x3f: {  	s23 =	sadd.s32 $0x180, s23;
	s22 =	sadd.s32 $0x1, s22  }
0x40: {  	[tilespmem:s14], [sflag:$0x2] =	stream.indirect.gather [hbm4b:s4+s12], $0x80, s23, s12, $0xb8;
	[tilespmem:$0x16400] =	vst v63  }
0x41: {  	p0 =	sne.s32 s22, $0x63;
	_ =	swait.ge [sflag:s19], $0x4000  }
.Ltmp2:
0x42: {  	[sflag:s19] =	ssyncset.done $0x0;
	(pc) =	sbr.rel @p0 .LBB2_2-.Ltmp2, $4  }
0x43: {  	[sflag:s19] =	ssyncadd.s32 $0xFFFFC000  }
0x44: {  	_ =	swait.ge [sflag:s20], $0x4000  }
0x45: {  	[sflag:s20] =	ssyncset.done $0x0  }
0x46: {  	[sflag:s20] =	ssyncadd.s32 $0xFFFFC000  }
0x47: {  	_ =	swait.ge [sflag:s15], $0x4000  }
0x48: {  	[sflag:s15] =	ssyncset.done $0x0  }
0x49: {  	s22 =	simm.s32 $0x0;
	[sflag:s15] =	ssyncadd.s32 $0xFFFFC000  }
0x4a: {  	v0 =	vld [tilespmem:s22+$0x6430]  }
0x4b: {  	v1 =	vld [tilespmem:s22+$0x6400]  }
0x4c: {  	v2 =	vld [tilespmem:s22+$0x6410]  }
0x4d: {  	s23 =	simm.s32 $0x200;
	v3 =	vld [tilespmem:s22+$0x6420]  }
.LBB2_8:
0x4e: {  	p0 =	sne.s32 s23, $0xFE00  }
.Ltmp3:
0x4f: {  	s24 =	sshra.s32 s23, $0x2;
	s23 =	sadd.s32 $0x200, s23;
	[tilespmem:s22+$0xE430] =	vst v0;
	(pc) =	sbr.rel @p0 .LBB2_8-.Ltmp3, $4  }
0x50: {  	v0 =	vld [tilespmem:s24+$0x6430];
	[tilespmem:s22+$0xE400] =	vst v1  }
0x51: {  	v1 =	vld [tilespmem:s24+$0x6400];
	[tilespmem:s22+$0xE410] =	vst v2  }
0x52: {  	v2 =	vld [tilespmem:s24+$0x6410];
	[tilespmem:s22+$0xE420] =	vst v3;
	s22 =	smov.u32 s24  }
0x53: {  	v3 =	vld [tilespmem:s22+$0x6420]  }
0x54: {  	_ = 	snop  }
0x55: {  	[tilespmem:s22+$0xE430] =	vst v0  }
0x56: {  	[tilespmem:s22+$0xE400] =	vst v1  }
0x57: {  	[tilespmem:s22+$0xE410] =	vst v2  }
0x58: {  	s31 =	simm.s32 $0x0;
	[tilespmem:s22+$0xE420] =	vst v3  }
0x59: {  	[hbm4b:s7+s31] =	stream.linear.scatter [tilespmem:s16], [sflag:$0x3], $0x4000, $0x38;
	[tilespmem:$0x16400] =	vst v63  }
0x5a: {  	_ =	swait.ge [sflag:s17], $0x4000  }
0x5b: {  	[sflag:s17] =	ssyncset.done $0x0  }
0x5c: {  	s22 =	simm.s32 $0x0;
	[sflag:s17] =	ssyncadd.s32 $0xFFFFC000  }
0x5d: {  	v0 =	vld [tilespmem:s22+$0xA430]  }
0x5e: {  	v1 =	vld [tilespmem:s22+$0xA400]  }
0x5f: {  	v2 =	vld [tilespmem:s22+$0xA410]  }
0x60: {  	s23 =	simm.s32 $0x200;
	v3 =	vld [tilespmem:s22+$0xA420]  }
.LBB2_10:
0x61: {  	p0 =	sne.s32 s23, $0xFE00  }
.Ltmp4:
0x62: {  	s24 =	sshra.s32 s23, $0x2;
	s23 =	sadd.s32 $0x200, s23;
	[tilespmem:s22+$0x12430] =	vst v0;
	(pc) =	sbr.rel @p0 .LBB2_10-.Ltmp4, $4  }
0x63: {  	v0 =	vld [tilespmem:s24+$0xA430];
	[tilespmem:s22+$0x12400] =	vst v1  }
0x64: {  	v1 =	vld [tilespmem:s24+$0xA400];
	[tilespmem:s22+$0x12410] =	vst v2  }
0x65: {  	v2 =	vld [tilespmem:s24+$0xA410];
	[tilespmem:s22+$0x12420] =	vst v3;
	s22 =	smov.u32 s24  }
0x66: {  	v3 =	vld [tilespmem:s22+$0xA420]  }
0x67: {  	_ = 	snop  }
0x68: {  	[tilespmem:s22+$0x12430] =	vst v0  }
0x69: {  	[tilespmem:s22+$0x12400] =	vst v1  }
0x6a: {  	[tilespmem:s22+$0x12410] =	vst v2  }
0x6b: {  	s21 =	sadd.s32 $0x1, s21;
	[tilespmem:s22+$0x12420] =	vst v3  }
0x6c: {  	[hbm4b:s8+s2] =	stream.linear.scatter [tilespmem:s18], [sflag:$0x4], $0x4000, $0x38;
	[tilespmem:$0x16400] =	vst v63  }
0x6d: {  	p0 =	sne.s32 s21, s9;
	_ =	swait.ge [sflag:s19], $0x4000  }
.Ltmp5:
0x6e: {  	[sflag:s19] =	ssyncset.done $0x0;
	(pc) =	sbr.rel @p0 .LBB2_1-.Ltmp5, $4  }
0x6f: {  	[sflag:s19] =	ssyncadd.s32 $0xFFFFC000  }
0x70: {  	_ =	swait.ge [sflag:s20], $0x4000  }
0x71: {  	[sflag:s20] =	ssyncset.done $0x0  }
0x72: {  	[sflag:s20] =	ssyncadd.s32 $0xFFFFC000  }
0x73: {  	_ =	sfence.sel $0x180000  }
0x74: {  	[bflag:$0x0] =	sbarrier.arrive $0xFFFF  }
0x75: {  	p0 =	sne.s32 s1, $0x0;
	_ =	strace $0x90000047  }
0x76: {  	s0 =	sadd.s32 @!p0 $0x100000, s0;
	[bflag:$0x2] =	sbarrier.arrive $0xFFFF  }
0x77: {  	[sflag:s0] =	ssyncadd.tile.s32 @!p0 $0x1;
	_ =	shalt  }
.Lfunc_end2:
_tile_overlayer_lowered:
.L_overlay_start_2:
0x78: {  	(tag) =	ssettag $0x2  }
0x79: {  	s0 =	rddreg [dreg:$0x0];
	s2 =	stileid.u32  }
0x7a: {  	s1 =	rddreg [dreg:$0x1];
	p0 =	sne.s32 s2, $0x0  }
0x7b: {  	s3 =	rddreg [dreg:$0x2];
	[bflag:$0x3] =	sbarrier.arrive $0xFFFF;
	s2 =	simm.s32 @!p0 $0x1C05  }
0x7c: {  	[timem:s3], [sflag:s2] =	dma.local @!p0 [hbm:s0], s1  }
0x7d: {  	s0 =	simm.s32 @!p0 $0x5  }
0x7e: {  	_ =	swait.ge @!p0 [sflag:s0], s1  }
0x7f: {  	s1 =	ssub.s32 @!p0 $0x0, s1;
	[sflag:s0] =	ssyncset.done @!p0 $0x0  }
0x80: {  	[sflag:s0] =	ssyncadd.s32 @!p0 s1  }
0x81: {  	[bflag:$0x3] =	sbarrier.arrive $0xFFFF  }
0x82: {  	_ =	shalt  }

// kernel: sparse-core-data-format-call.cloned.1.call-start
scs
called_computation_lowered:
.L_overlay_start_0:
0x0: {  	s2 =	sld [smem:$0x3FD9]  }
0x1: {  	s3 =	sld [smem:$0x3FFE];
	_ =	sdelay $0x1  }
0x2: {  	s1 =	srdreg.scid  }
0x3: {  	s0 =	sand.u32 $0x1, s1  }
0x4: {  	s18 =	sshll.u32 s0, $0xA;
	s2 =	sadd.s32 s3, s2  }
0x5: {  	s2 =	sadd.s32 s2, s18  }
0x6: {  	[smem:$0x3FC6] =	sst s2  }
0x7: {  	_ = 	snop  }
0x8: {  	s2 =	sld [smem:$0x3FD0];
	(tm) =	ssettm $0x1  }
0x9: {  	s19 =	sld [smem:$0x3FFB];
	_ =	sdelay $0x3  }
0xa: {  	_ =	strace s19  }
0xb: {  	s3 =	sld [smem:$0x3FFC];
	_ =	sdelay $0x3  }
0xc: {  	_ =	strace s3  }
0xd: {  	s3 =	sld [smem:$0x3FFD];
	_ =	sdelay $0x3  }
0xe: {  	_ =	strace s3  }
0xf: {  	_ =	strace $0x8FFFFFFF  }
0x10: {  	s20 =	sld [smem:$0x3FDB];
	_ =	sdelay $0x1  }
0x11: {  	s4 =	simm.s32 $_scs_section_size  }
0x12: {  	s5 =	simm.s32 $_size__tile_overlayer_lowered;
	s6 =	simm.s32 $_tile_overlayer_lowered  }
0x13: {  	s23 =	simm.s32 $0x1BFF;
	s22 =	sshll.u32 s6, $0x1;
	s3 =	sadd.s32 s4, s20  }
0x14: {  	s7 =	simm.s32 $0x0;
	s21 =	sshll.u32 s5, $0x1;
	s5 =	sadd.s32 s22, s3  }
0x15: {  	[timem:s7], [sflag:s23] =	dma.local [hbm:s5], s21  }
0x16: {  	_ =	swait.ge [sflag:s23], s21  }
0x17: {  	s4 =	ssub.s32 $0x0, s21;
	[sflag:s23] =	ssyncset.done $0x0  }
0x18: {  	[sflag:s23] =	ssyncadd.s32 s4;
	_ =	sdelay $0x1  }
0x19: {  	s24 =	simm.s32 $0x1B8B  }
0x1a: {  	_ =	swait.ge [sflag:s24], $0x1  }
0x1b: {  	[sflag:s24] =	ssyncset.done $0x0  }
0x1c: {  	s26 =	simm.s32 $0x1B8E;
	s25 =	sld [smem:$0x3FFE];
	[sflag:s24] =	ssyncadd.s32 $0xFFFFFFFF  }
0x1d: {  	s27 =	simm.s32 $execute0_lowered;
	[smem:$0x3FD2] =	sst s26  }
0x1e: {  	s5 =	sshll.u32 s27, $0x1;
	_ =	strace $0x80000049;
	[dreg:$0x1] =	wrdreg $0xFFFFFFFF  }
0x1f: {  	s28 =	simm.s32 $_size_execute0_lowered;
	s3 =	sadd.s32 s3, s5;
	[dreg:$0x0] =	wrdreg $0x0  }
0x20: {  	s5 =	sshll.u32 s28, $0x1;
	[dreg:$0x2] =	wrdreg s3  }
0x21: {  	[dreg:$0x3] =	wrdreg s5  }
0x22: {  	[dreg:$0x4] =	wrdreg $0xC0  }
0x23: {  	_ =	task [dreg:s7], $0x5FFFF  }
0x24: {  	[dreg:$0x1] =	wrdreg $0xFFFFFFFF  }
0x25: {  	[dreg:$0x0] =	wrdreg $0x60  }
0x26: {  	[dreg:$0x2] =	wrdreg s25  }
0x27: {  	[dreg:$0x3] =	wrdreg s2  }
0x28: {  	[dreg:$0x4] =	wrdreg $0x9  }
0x29: {  	_ =	task.clear_ibuf [dreg:s7], $0x5FFFF;
	_ =	strace $0x90000049  }
0x2a: {  	s29 =	simm.s32 $0x9;
	_ =	strace $0x8000004B  }
0x2b: {  	_ =	swait.ge [sflag:s29], $0x1  }
0x2c: {  	[sflag:s29] =	ssyncadd.s32 $0xFFFFFFFF  }
0x2d: {  	_ =	strace $0x9000004B  }
0x2e: {  	_ =	sfence  }
0x2f: {  	s30 =	sld [smem:$0x0];
	_ =	sdelay $0x2  }
0x30: {  	s31 =	sshll.u32 s1, $0xD;
	s1 =	sshrl.u32 s1, $0x2  }
0x31: {  	s3 =	sand.u32 $0x4000, s31;
	s1 =	sadd.s32 s1, s30  }
0x32: {  	s0 =	sor.u32 s3, s0;
	s1 =	sshll.u32 s1, $0x11  }
0x33: {  	s0 =	sor.u32 s1, s0  }
0x34: {  	s0 =	sadd.s32 $0x8F2B, s0  }
0x35: {  	[sflag:s0] =	ssyncadd.remote.s32 $0x1  }
0x36: {  	_ =	sfence.sel $0xFFFF  }
0x37: {  	[dreg:$0x0] =	wrdreg $0xFFFFFFFF;
	(pc) =	sbr.abs _section_cstart, $3  }
0x38: {  	[dreg:$0x1] =	wrdreg $0xFFFFFFFF  }
0x39: {  	_ =	task.clear_ibuf [dreg:s7], $0x2FFFF;
	_ =	strace $0x9FFFFFFF  }
0x3a: {  	(tm) =	ssettm $0x7FFFFFFF  }
0x3b: {  	_ =	shalt  }
tec
execute0_lowered:
.L_overlay_start_1:
0x0: {  	(tag) =	ssettag $0x1  }
0x1: {  	s0 =	srdreg.scid  }
0x2: {  	s1 =	sshll.u32 s0, $0x4  }
0x3: {  	s0 =	stileid.u32;
	s1 =	sand.u32 $0x10, s1  }
0x4: {  	s1 =	sor.u32 s0, s1  }
0x5: {  	s6 =	rddreg [dreg:$0x0];
	s4 =	simm.s32 $0x1;
	s2 =	sshll.u32 s1, $0x7  }
0x6: {  	s7 =	simm.s32 $0x2;
	s12 =	simm.s32 $0x0;
	s1 =	ssub.s32 $0x1000, s2  }
0x7: {  	s8 =	simm.s32 $0x8000;
	s13 =	simm.s32 $0x0;
	s3 =	sand.u32 $0xF80, s1  }
0x8: {  	s9 =	simm.s32 $0x0;
	s5 =	sshrl.u32 s1, $0xC;
	p0 =	sne.s32 s3, $0x0  }
.Ltmp0:
0x9: {  	s1 =	rddreg [dreg:$0x2];
	s4 =	simm.s32 @!p0 $0x0;
	(pc) =	sbr.rel .LBB1_1-.Ltmp0, $4  }
0xa: {  	s11 =	simm.s32 $0x0;
	s3 =	rddreg [dreg:$0x1];
	s5 =	sadd.s32 s4, s5  }
0xb: {  	_ =	strace $0x8000004A;
	s4 =	simm.s32 $0x1;
	s5 =	smul.u32 $0xC8, s5  }
0xc: {  	s6 =	sadd.s32 $0xF42C00, s6;
	s10 =	smov.u32 s2;
	[sflag:s4] =	ssyncpa.u1 $0x0  }
0xd: {  	p0 =	por $0x0, $0x0;
	[sflag:s7] =	ssyncpa.u1 $0x0;
	s7 =	sor.u32 $0x1, s5  }
.LBB1_4:
0xe: {  	s16 =	sshll.u32 s13, $0x3;
	s17 =	sand.u32 $0x78, s13  }
0xf: {  	s30 =	sand.u32 $0x7E00, s13;
	s12 =	sshll.u32 s12, $0xF;
	s16 =	sand.u32 $0xC00, s16  }
0x10: {  	[tilespmem:s15+$0x810 ss:$0x81] =	vst.msk $0xffff, v2;
	s31 =	sand.u32 $0x7, s13;
	s16 =	sor.u32 s17, s16;
	s17 =	sadd.s32 s3, s30  }
0x11: {  	[tilespmem:s15+$0x1020 ss:$0x81] =	vst.msk $0xffff, v0;
	s13 =	sshll.u32 s31, $0x12;
	s12 =	sadd.s32 s12, s17;
	s16 =	sshrl.u32 s16, $0x3  }
0x12: {  	[tilespmem:s15+$0x0 ss:$0x81] =	vst.msk $0xffff, v1;
	s13 =	sor.u32 $0x400, s13;
	s12 =	sadd.s32 s16, s12  }
0x13: {  	[hbm4b:s12+s13] =	stream.strided.scatter [tilespmem:s14], [sflag:$0x2], $0x2000, s8, s13, $0x20;
	[tilespmem:$0x8080] =	vst v63  }
.LBB1_5:
0x14: {  	s14 =	sadd.s32 $0x1, s9  }
0x15: {  	s12 =	sadd.s32 $0x1000, s10;
	s16 =	smov.u32 s10;
	p2 =	sgt.s32 s14, $0xC7  }
0x16: {  	s16 =	smov.u32 @p2 s12  }
0x17: {  	s14 =	simm.s32 @p2 $0x0;
	p2 =	sgt.s32 s16, $0xFFF  }
0x18: {  	s16 =	smov.u32 @p2 s2;
	p2 =	sne.s32 s11, s7  }
.Ltmp1:
0x19: {  	p1 =	slt.u32 s11, $0x2;
	(pc) =	sbr.rel @!p2 .LBB1_6-.Ltmp1, $4  }
0x1a: {  	s15 =	simm.s32 @!p1 $0x2  }
0x1b: {  	s13 =	smov.u32 s10;
	p0 =	por !p0, !p0;
	_ =	swait.ge @!p1 [sflag:s15], $0x2000  }
0x1c: {  	s12 =	smov.u32 s9;
	[sflag:s15] =	ssyncset.done @!p1 $0x0;
	s9 =	smov.u32 s14  }
0x1d: {  	s11 =	sadd.s32 $0x1, s11;
	[sflag:s15] =	ssyncadd.s32 @!p1 $0xFFFFE000;
	s10 =	smov.u32 s16  }
.LBB1_1:
0x1e: {  	p1 =	sge.u32 s11, s5  }
0x1f: {  	s14 =	sand.u32 @!p1 $0x1FFFFFF, s9  }
0x20: {  	s15 =	smulhi.u32 @!p1 $0x147AE15, s14;
	_ =	sdelay $0x1  }
0x21: {  	s15 =	smul.u32 @!p1 $0xC8, s15  }
0x22: {  	s16 =	sxor.u32 @!p1 $0xFFFFFFFF, s11;
	s17 =	smul.u32 @!p1 $0xC80, s10  }
0x23: {  	s31 =	sadd.s32 $0xFFFFFFFF, s11;
	s16 =	sshll.u32 @!p1 s16, $0xD;
	s14 =	ssub.s32 @!p1 s14, s15  }
0x24: {  	s15 =	sand.u32 @!p1 $0x2000, s16;
	s16 =	sadd.s32 @!p1 s6, s17;
	s14 =	sshll.u32 @!p1 s14, $0x4  }
0x25: {  	s17 =	simm.s32 @!p1 $0x6400;
	s14 =	sadd.s32 @!p1 s14, s16;
	s16 =	simm.s32 @!p1 $0x40  }
0x26: {  	[tilespmem:s15], [sflag:$0x1] =	stream.strided.gather @!p1 [hbm4b:s14+s16], $0x2000, s17, s16, $0x38;
	[tilespmem:$0x8080] =	vst v63  }
0x27: {  	p1 =	sge.u32 s31, s5  }
.Ltmp2:
0x28: {  	_ = 	snop;
	(pc) =	sbr.rel @p1 .LBB1_5-.Ltmp2, $1  }
0x29: {  	_ =	sdelay $0x3  }
0x2a: {  	s14 =	simm.s32 $0x1  }
0x2b: {  	_ =	swait.ge [sflag:s4], $0x2000;
	s14 =	simm.s32 @!p0 $0x0  }
0x2c: {  	[sflag:s4] =	ssyncset.done $0x0;
	s15 =	sshll.u32 s14, $0xD  }
0x2d: {  	[sflag:s4] =	ssyncadd.s32 $0xFFFFE000;
	s18 =	sor.u32 $0x20, s15  }
0x2e: {  	s14 =	smul.u32 $0x8100, s14;
	v3 =	vld [tilespmem:s18+$0x10]  }
0x2f: {  	s30 =	sand.u32 $0x1, s11;
	v2 =	vld [tilespmem:s18+$0xFFFFFFF0]  }
0x30: {  	s15 =	smul.u32 $0x8100, s30;
	s14 =	sshrl.u32 s14, $0x2;
	v0 =	vld [tilespmem:s18+$0x0]  }
0x31: {  	v1 =	vld [tilespmem:s18+$0xFFFFFFE0];
	s16 =	sor.u32 $0x4000, s14  }
0x32: {  	s31 =	sshrl.u32 s15, $0x2;
	s15 =	sadd.s32 $0x0, s16  }
0x33: {  	s17 =	simm.s32 $0x4;
	s18 =	sadd.s32 $0x40, s18;
	s14 =	sor.u32 $0x4000, s31;
	[tilespmem:s15+$0x1830 ss:$0x81] =	vst.msk $0xffff, v3  }
.LBB1_3:
0x34: {  	v3 =	vld [tilespmem:s18+$0x10];
	p1 =	sne.s32 s17, $0x1FC;
	[tilespmem:s15+$0x810 ss:$0x81] =	vst.msk $0xffff, v2;
	s19 =	smov.u32 s17;
	s17 =	sadd.s32 $0x4, s17  }
.Ltmp3:
0x35: {  	v2 =	vld [tilespmem:s18+$0xFFFFFFF0];
	[tilespmem:s15+$0x1020 ss:$0x81] =	vst.msk $0xffff, v0;
	(pc) =	sbr.rel @p1 .LBB1_3-.Ltmp3, $4  }
0x36: {  	v0 =	vld [tilespmem:s18+$0x0];
	[tilespmem:s15+$0x0 ss:$0x81] =	vst.msk $0xffff, v1  }
0x37: {  	s15 =	sshra.s32 s19, $0x2;
	v1 =	vld [tilespmem:s18+$0xFFFFFFE0]  }
0x38: {  	s15 =	sadd.s32 s15, s16  }
0x39: {  	s18 =	sadd.s32 $0x40, s18;
	[tilespmem:s15+$0x1830 ss:$0x81] =	vst.msk $0xffff, v3  }
.Ltmp4:
0x3a: {  	_ = 	snop;
	(pc) =	sbr.rel .LBB1_4-.Ltmp4, $1  }
0x3b: {  	_ =	sdelay $0x3  }
.LBB1_6:
0x3c: {  	_ =	sfence.sel $0x180000  }
0x3d: {  	s2 =	simm.s32 $0x1;
	[bflag:$0x0] =	sbarrier.arrive $0xFFFF  }
0x3e: {  	s31 =	simm.s32 $0x2;
	[sflag:s2] =	ssyncpa.u1 $0x1  }
0x3f: {  	[sflag:s31] =	ssyncpa.u1 $0x1  }
0x40: {  	p0 =	sne.s32 s0, $0x0;
	_ =	strace $0x9000004A  }
0x41: {  	s0 =	sadd.s32 @!p0 $0x100000, s1;
	[bflag:$0x2] =	sbarrier.arrive $0xFFFF  }
0x42: {  	[sflag:s0] =	ssyncadd.tile.s32 @!p0 $0x1;
	_ =	shalt  }
.Lfunc_end1:
_tile_overlayer_lowered:
.L_overlay_start_2:
0x43: {  	(tag) =	ssettag $0x2  }
0x44: {  	s0 =	rddreg [dreg:$0x0];
	s2 =	stileid.u32  }
0x45: {  	s1 =	rddreg [dreg:$0x1];
	p0 =	sne.s32 s2, $0x0  }
0x46: {  	s3 =	rddreg [dreg:$0x2];
	[bflag:$0x3] =	sbarrier.arrive $0xFFFF;
	s2 =	simm.s32 @!p0 $0x1C01  }
0x47: {  	[timem:s3], [sflag:s2] =	dma.local @!p0 [hbm:s0], s1  }
0x48: {  	s0 =	simm.s32 @!p0 $0x1  }
0x49: {  	_ =	swait.ge @!p0 [sflag:s0], s1  }
0x4a: {  	s1 =	ssub.s32 @!p0 $0x0, s1;
	[sflag:s0] =	ssyncset.done @!p0 $0x0  }
0x4b: {  	[sflag:s0] =	ssyncadd.s32 @!p0 s1  }
0x4c: {  	[bflag:$0x3] =	sbarrier.arrive $0xFFFF  }
0x4d: {  	_ =	shalt  }

</sc_bundles>
